<compile_context>
chip_gen: v7x
topology: tpu7x:2x2x1
jax: 0.10.2.dev20260603
libtpu: 0.0.44.dev20260713+nightly
codegen_flags: <defaults>
</compile_context>

<pallas_src>
import functools

import jax
from jax import lax
from jax.experimental import pallas as pl
from jax.experimental.pallas import tpu as pltpu
from jax.experimental.pallas import tpu_sc as plsc

_NBUF = 12
_INFLIGHT = 6


def _make_sc_copy(sl, dim, dtype):
    info = plsc.get_sparse_core_info()
    nw = info.num_cores * info.num_subcores
    rows_per_w = sl // nw
    chunk = 8
    nchunks = rows_per_w // chunk
    mesh = plsc.VectorSubcoreMesh(core_axis_name="c", subcore_axis_name="s")

    @functools.partial(
        pl.kernel,
        mesh=mesh,
        out_type=jax.ShapeDtypeStruct((sl, dim), dtype),
        scratch_types=(
            [pltpu.VMEM((chunk, dim), dtype) for _ in range(_NBUF)]
            + [pltpu.SemaphoreType.DMA for _ in range(2 * _NBUF)]
        ),
    )
    def sc_copy(table_hbm, out_hbm, *scratch):
        bufs = scratch[:_NBUF]
        isems = scratch[_NBUF : 2 * _NBUF]
        osems = scratch[2 * _NBUF :]
        wid = lax.axis_index("s") * info.num_cores + lax.axis_index("c")
        base = wid * rows_per_w

        def in_copy(i):
            b = i % _NBUF
            return pltpu.make_async_copy(
                table_hbm.at[pl.ds(base + i * chunk, chunk)], bufs[b], isems[b]
            )

        def out_copy(i):
            b = i % _NBUF
            return pltpu.make_async_copy(
                bufs[b], out_hbm.at[pl.ds(base + i * chunk, chunk)], osems[b]
            )

        for i in range(_INFLIGHT):
            in_copy(i).start()
        for i in range(nchunks):
            in_copy(i).wait()
            out_copy(i).start()
            j = i - _INFLIGHT
            if j >= 0:
                out_copy(j).wait()
            nxt = i + _INFLIGHT
            if nxt < nchunks:
                in_copy(nxt).start()
        for i in range(max(0, nchunks - _INFLIGHT), nchunks):
            out_copy(i).wait()

    return sc_copy


def kernel(x, emb_weight):
    sl = x.shape[1]
    dim = emb_weight.shape[1]
    return _make_sc_copy(sl, dim, emb_weight.dtype)(emb_weight)

# --- scband reference (transcript-rebuilt; emitter-appended) ---
"""Pipeline reference for scband-learned-position-embeddings-31885837205520 (READ-ONLY COPY).

The authoritative reference and input builder live on the scoring server;
editing this copy changes nothing except your own understanding.
"""

import jax, jax.numpy as jnp
import numpy as np

SEQ_LEN = 8192
MODEL_DIM = 1024

def setup_inputs(seed: int = 0) -> dict:
    key = jax.random.key(seed)
    k1, k2 = jax.random.split(key)
    # x: token ids, only shape[1] is used by the module
    x = jax.random.randint(k1, (2, 8192), 0, 8192, dtype=jnp.int64 if jax.config.jax_enable_x64 else jnp.int32)
    # learned position embedding table, init std=0.02
    emb_weight = jax.random.normal(k2, (SEQ_LEN, MODEL_DIM), dtype=jnp.float32) * 0.02
    return {"x": x, "emb_weight": emb_weight}

def reference(x, emb_weight):
    # relative=False path: emb(arange(0, sl))
    sl = x.shape[1]
    idx = jnp.arange(0, sl)
    return jnp.take(emb_weight, idx, axis=0)

if __name__ == "__main__":
    import jax
    _d = setup_inputs()
    print(jax.jit(kernel)(*tuple(_d.values())))

</pallas_src>

<mosaic_0001>
#map = affine_map<(d0, d1) -> (0, 0)>
module attributes {stable_mosaic.version = 14 : i64} {
  func.func @sc_copy(%arg0: i32, %arg1: i32, %arg2: memref<8192x1024xf32, #tpu.memory_space<hbm>>, %arg3: memref<8192x1024xf32, #tpu.memory_space<hbm>>, %arg4: memref<8x1024xf32, #tpu.memory_space<vmem>>, %arg5: memref<8x1024xf32, #tpu.memory_space<vmem>>, %arg6: memref<8x1024xf32, #tpu.memory_space<vmem>>, %arg7: memref<8x1024xf32, #tpu.memory_space<vmem>>, %arg8: memref<8x1024xf32, #tpu.memory_space<vmem>>, %arg9: memref<8x1024xf32, #tpu.memory_space<vmem>>, %arg10: memref<8x1024xf32, #tpu.memory_space<vmem>>, %arg11: memref<8x1024xf32, #tpu.memory_space<vmem>>, %arg12: memref<8x1024xf32, #tpu.memory_space<vmem>>, %arg13: memref<8x1024xf32, #tpu.memory_space<vmem>>, %arg14: memref<8x1024xf32, #tpu.memory_space<vmem>>, %arg15: memref<8x1024xf32, #tpu.memory_space<vmem>>, %arg16: memref<!tpu.dma_semaphore, #tpu.memory_space<semaphore_mem>>, %arg17: memref<!tpu.dma_semaphore, #tpu.memory_space<semaphore_mem>>, %arg18: memref<!tpu.dma_semaphore, #tpu.memory_space<semaphore_mem>>, %arg19: memref<!tpu.dma_semaphore, #tpu.memory_space<semaphore_mem>>, %arg20: memref<!tpu.dma_semaphore, #tpu.memory_space<semaphore_mem>>, %arg21: memref<!tpu.dma_semaphore, #tpu.memory_space<semaphore_mem>>, %arg22: memref<!tpu.dma_semaphore, #tpu.memory_space<semaphore_mem>>, %arg23: memref<!tpu.dma_semaphore, #tpu.memory_space<semaphore_mem>>, %arg24: memref<!tpu.dma_semaphore, #tpu.memory_space<semaphore_mem>>, %arg25: memref<!tpu.dma_semaphore, #tpu.memory_space<semaphore_mem>>, %arg26: memref<!tpu.dma_semaphore, #tpu.memory_space<semaphore_mem>>, %arg27: memref<!tpu.dma_semaphore, #tpu.memory_space<semaphore_mem>>, %arg28: memref<!tpu.dma_semaphore, #tpu.memory_space<semaphore_mem>>, %arg29: memref<!tpu.dma_semaphore, #tpu.memory_space<semaphore_mem>>, %arg30: memref<!tpu.dma_semaphore, #tpu.memory_space<semaphore_mem>>, %arg31: memref<!tpu.dma_semaphore, #tpu.memory_space<semaphore_mem>>, %arg32: memref<!tpu.dma_semaphore, #tpu.memory_space<semaphore_mem>>, %arg33: memref<!tpu.dma_semaphore, #tpu.memory_space<semaphore_mem>>, %arg34: memref<!tpu.dma_semaphore, #tpu.memory_space<semaphore_mem>>, %arg35: memref<!tpu.dma_semaphore, #tpu.memory_space<semaphore_mem>>, %arg36: memref<!tpu.dma_semaphore, #tpu.memory_space<semaphore_mem>>, %arg37: memref<!tpu.dma_semaphore, #tpu.memory_space<semaphore_mem>>, %arg38: memref<!tpu.dma_semaphore, #tpu.memory_space<semaphore_mem>>, %arg39: memref<!tpu.dma_semaphore, #tpu.memory_space<semaphore_mem>>) attributes {dimension_semantics = [#tpu.dimension_semantics<core_parallel>, #tpu.dimension_semantics<subcore_parallel>], iteration_bounds = array<i64: 2, 16>, scalar_prefetch = 0 : i64, scratch_operands = 36 : i64, tpu.core_type = #tpu.core_type<sc_vector_subcore>, window_params = [{transform_indices = #map}, {transform_indices = #map}]} {
    %mul3A = arith.constant 2 : i32
    %mul3A_0 = arith.muli %arg1, %mul3A : i32
    %add3A = arith.addi %mul3A_0, %arg0 : i32
    %mul3A_1 = arith.constant 256 : i32
    %mul3A_2 = arith.muli %add3A, %mul3A_1 : i32
    %add3A_3 = arith.constant 0 : i32
    %add3A_4 = arith.addi %mul3A_2, %add3A_3 : i32
    %dma_start3A = arith.constant 0 : i32
    %dma_start3A_5 = tpu.memref_slice %arg2[%add3A_4, %dma_start3A] : memref<8192x1024xf32, #tpu.memory_space<hbm>> -> memref<8x1024xf32, #tpu.memory_space<hbm>>
    %dma_start3A_6 = arith.constant 0 : i32
    %dma_start3A_7 = tpu.memref_slice %arg2[%add3A_4, %dma_start3A_6] : memref<8192x1024xf32, #tpu.memory_space<hbm>> -> memref<8x1024xf32, #tpu.memory_space<hbm>>
    tpu.enqueue_dma source(%dma_start3A_7 : memref<8x1024xf32, #tpu.memory_space<hbm>>) target(%arg4 : memref<8x1024xf32, #tpu.memory_space<vmem>>) target_semaphore(%arg16 : memref<!tpu.dma_semaphore, #tpu.memory_space<semaphore_mem>>)
    %add3A_8 = arith.constant 8 : i32
    %add3A_9 = arith.addi %mul3A_2, %add3A_8 : i32
    %dma_start3A_10 = arith.constant 0 : i32
    %dma_start3A_11 = tpu.memref_slice %arg2[%add3A_9, %dma_start3A_10] : memref<8192x1024xf32, #tpu.memory_space<hbm>> -> memref<8x1024xf32, #tpu.memory_space<hbm>>
    %dma_start3A_12 = arith.constant 0 : i32
    %dma_start3A_13 = tpu.memref_slice %arg2[%add3A_9, %dma_start3A_12] : memref<8192x1024xf32, #tpu.memory_space<hbm>> -> memref<8x1024xf32, #tpu.memory_space<hbm>>
    tpu.enqueue_dma source(%dma_start3A_13 : memref<8x1024xf32, #tpu.memory_space<hbm>>) target(%arg5 : memref<8x1024xf32, #tpu.memory_space<vmem>>) target_semaphore(%arg17 : memref<!tpu.dma_semaphore, #tpu.memory_space<semaphore_mem>>)
    %add3A_14 = arith.constant 16 : i32
    %add3A_15 = arith.addi %mul3A_2, %add3A_14 : i32
    %dma_start3A_16 = arith.constant 0 : i32
    %dma_start3A_17 = tpu.memref_slice %arg2[%add3A_15, %dma_start3A_16] : memref<8192x1024xf32, #tpu.memory_space<hbm>> -> memref<8x1024xf32, #tpu.memory_space<hbm>>
    %dma_start3A_18 = arith.constant 0 : i32
    %dma_start3A_19 = tpu.memref_slice %arg2[%add3A_15, %dma_start3A_18] : memref<8192x1024xf32, #tpu.memory_space<hbm>> -> memref<8x1024xf32, #tpu.memory_space<hbm>>
    tpu.enqueue_dma source(%dma_start3A_19 : memref<8x1024xf32, #tpu.memory_space<hbm>>) target(%arg6 : memref<8x1024xf32, #tpu.memory_space<vmem>>) target_semaphore(%arg18 : memref<!tpu.dma_semaphore, #tpu.memory_space<semaphore_mem>>)
    %add3A_20 = arith.constant 24 : i32
    %add3A_21 = arith.addi %mul3A_2, %add3A_20 : i32
    %dma_start3A_22 = arith.constant 0 : i32
    %dma_start3A_23 = tpu.memref_slice %arg2[%add3A_21, %dma_start3A_22] : memref<8192x1024xf32, #tpu.memory_space<hbm>> -> memref<8x1024xf32, #tpu.memory_space<hbm>>
    %dma_start3A_24 = arith.constant 0 : i32
    %dma_start3A_25 = tpu.memref_slice %arg2[%add3A_21, %dma_start3A_24] : memref<8192x1024xf32, #tpu.memory_space<hbm>> -> memref<8x1024xf32, #tpu.memory_space<hbm>>
    tpu.enqueue_dma source(%dma_start3A_25 : memref<8x1024xf32, #tpu.memory_space<hbm>>) target(%arg7 : memref<8x1024xf32, #tpu.memory_space<vmem>>) target_semaphore(%arg19 : memref<!tpu.dma_semaphore, #tpu.memory_space<semaphore_mem>>)
    %add3A_26 = arith.constant 32 : i32
    %add3A_27 = arith.addi %mul3A_2, %add3A_26 : i32
    %dma_start3A_28 = arith.constant 0 : i32
    %dma_start3A_29 = tpu.memref_slice %arg2[%add3A_27, %dma_start3A_28] : memref<8192x1024xf32, #tpu.memory_space<hbm>> -> memref<8x1024xf32, #tpu.memory_space<hbm>>
    %dma_start3A_30 = arith.constant 0 : i32
    %dma_start3A_31 = tpu.memref_slice %arg2[%add3A_27, %dma_start3A_30] : memref<8192x1024xf32, #tpu.memory_space<hbm>> -> memref<8x1024xf32, #tpu.memory_space<hbm>>
    tpu.enqueue_dma source(%dma_start3A_31 : memref<8x1024xf32, #tpu.memory_space<hbm>>) target(%arg8 : memref<8x1024xf32, #tpu.memory_space<vmem>>) target_semaphore(%arg20 : memref<!tpu.dma_semaphore, #tpu.memory_space<semaphore_mem>>)
    %add3A_32 = arith.constant 40 : i32
    %add3A_33 = arith.addi %mul3A_2, %add3A_32 : i32
    %dma_start3A_34 = arith.constant 0 : i32
    %dma_start3A_35 = tpu.memref_slice %arg2[%add3A_33, %dma_start3A_34] : memref<8192x1024xf32, #tpu.memory_space<hbm>> -> memref<8x1024xf32, #tpu.memory_space<hbm>>
    %dma_start3A_36 = arith.constant 0 : i32
    %dma_start3A_37 = tpu.memref_slice %arg2[%add3A_33, %dma_start3A_36] : memref<8192x1024xf32, #tpu.memory_space<hbm>> -> memref<8x1024xf32, #tpu.memory_space<hbm>>
    tpu.enqueue_dma source(%dma_start3A_37 : memref<8x1024xf32, #tpu.memory_space<hbm>>) target(%arg9 : memref<8x1024xf32, #tpu.memory_space<vmem>>) target_semaphore(%arg21 : memref<!tpu.dma_semaphore, #tpu.memory_space<semaphore_mem>>)
    %add3A_38 = arith.constant 0 : i32
    %add3A_39 = arith.addi %mul3A_2, %add3A_38 : i32
    %dma_wait3A = arith.constant 0 : i32
    %dma_wait3A_40 = tpu.memref_slice %arg2[%add3A_39, %dma_wait3A] : memref<8192x1024xf32, #tpu.memory_space<hbm>> -> memref<8x1024xf32, #tpu.memory_space<hbm>>
    %dma_wait3A_41 = arith.constant 0 : i32
    %dma_wait3A_42 = tpu.memref_slice %arg2[%add3A_39, %dma_wait3A_41] : memref<8192x1024xf32, #tpu.memory_space<hbm>> -> memref<8x1024xf32, #tpu.memory_space<hbm>>
    tpu.wait_dma2 semaphore(%arg16 : memref<!tpu.dma_semaphore, #tpu.memory_space<semaphore_mem>>) src(%dma_wait3A_42 : memref<8x1024xf32, #tpu.memory_space<hbm>>) dst(%arg4 : memref<8x1024xf32, #tpu.memory_space<vmem>>)
    %add3A_43 = arith.constant 0 : i32
    %add3A_44 = arith.addi %mul3A_2, %add3A_43 : i32
    %dma_start3A_45 = arith.constant 0 : i32
    %dma_start3A_46 = tpu.memref_slice %arg3[%add3A_44, %dma_start3A_45] : memref<8192x1024xf32, #tpu.memory_space<hbm>> -> memref<8x1024xf32, #tpu.memory_space<hbm>>
    %dma_start3A_47 = arith.constant 0 : i32
    %dma_start3A_48 = tpu.memref_slice %arg3[%add3A_44, %dma_start3A_47] : memref<8192x1024xf32, #tpu.memory_space<hbm>> -> memref<8x1024xf32, #tpu.memory_space<hbm>>
    tpu.enqueue_dma source(%arg4 : memref<8x1024xf32, #tpu.memory_space<vmem>>) target(%dma_start3A_48 : memref<8x1024xf32, #tpu.memory_space<hbm>>) target_semaphore(%arg28 : memref<!tpu.dma_semaphore, #tpu.memory_space<semaphore_mem>>)
    %add3A_49 = arith.constant 48 : i32
    %add3A_50 = arith.addi %mul3A_2, %add3A_49 : i32
    %dma_start3A_51 = arith.constant 0 : i32
    %dma_start3A_52 = tpu.memref_slice %arg2[%add3A_50, %dma_start3A_51] : memref<8192x1024xf32, #tpu.memory_space<hbm>> -> memref<8x1024xf32, #tpu.memory_space<hbm>>
    %dma_start3A_53 = arith.constant 0 : i32
    %dma_start3A_54 = tpu.memref_slice %arg2[%add3A_50, %dma_start3A_53] : memref<8192x1024xf32, #tpu.memory_space<hbm>> -> memref<8x1024xf32, #tpu.memory_space<hbm>>
    tpu.enqueue_dma source(%dma_start3A_54 : memref<8x1024xf32, #tpu.memory_space<hbm>>) target(%arg10 : memref<8x1024xf32, #tpu.memory_space<vmem>>) target_semaphore(%arg22 : memref<!tpu.dma_semaphore, #tpu.memory_space<semaphore_mem>>)
    %add3A_55 = arith.constant 8 : i32
    %add3A_56 = arith.addi %mul3A_2, %add3A_55 : i32
    %dma_wait3A_57 = arith.constant 0 : i32
    %dma_wait3A_58 = tpu.memref_slice %arg2[%add3A_56, %dma_wait3A_57] : memref<8192x1024xf32, #tpu.memory_space<hbm>> -> memref<8x1024xf32, #tpu.memory_space<hbm>>
    %dma_wait3A_59 = arith.constant 0 : i32
    %dma_wait3A_60 = tpu.memref_slice %arg2[%add3A_56, %dma_wait3A_59] : memref<8192x1024xf32, #tpu.memory_space<hbm>> -> memref<8x1024xf32, #tpu.memory_space<hbm>>
    tpu.wait_dma2 semaphore(%arg17 : memref<!tpu.dma_semaphore, #tpu.memory_space<semaphore_mem>>) src(%dma_wait3A_60 : memref<8x1024xf32, #tpu.memory_space<hbm>>) dst(%arg5 : memref<8x1024xf32, #tpu.memory_space<vmem>>)
    %add3A_61 = arith.constant 8 : i32
    %add3A_62 = arith.addi %mul3A_2, %add3A_61 : i32
    %dma_start3A_63 = arith.constant 0 : i32
    %dma_start3A_64 = tpu.memref_slice %arg3[%add3A_62, %dma_start3A_63] : memref<8192x1024xf32, #tpu.memory_space<hbm>> -> memref<8x1024xf32, #tpu.memory_space<hbm>>
    %dma_start3A_65 = arith.constant 0 : i32
    %dma_start3A_66 = tpu.memref_slice %arg3[%add3A_62, %dma_start3A_65] : memref<8192x1024xf32, #tpu.memory_space<hbm>> -> memref<8x1024xf32, #tpu.memory_space<hbm>>
    tpu.enqueue_dma source(%arg5 : memref<8x1024xf32, #tpu.memory_space<vmem>>) target(%dma_start3A_66 : memref<8x1024xf32, #tpu.memory_space<hbm>>) target_semaphore(%arg29 : memref<!tpu.dma_semaphore, #tpu.memory_space<semaphore_mem>>)
    %add3A_67 = arith.constant 56 : i32
    %add3A_68 = arith.addi %mul3A_2, %add3A_67 : i32
    %dma_start3A_69 = arith.constant 0 : i32
    %dma_start3A_70 = tpu.memref_slice %arg2[%add3A_68, %dma_start3A_69] : memref<8192x1024xf32, #tpu.memory_space<hbm>> -> memref<8x1024xf32, #tpu.memory_space<hbm>>
    %dma_start3A_71 = arith.constant 0 : i32
    %dma_start3A_72 = tpu.memref_slice %arg2[%add3A_68, %dma_start3A_71] : memref<8192x1024xf32, #tpu.memory_space<hbm>> -> memref<8x1024xf32, #tpu.memory_space<hbm>>
    tpu.enqueue_dma source(%dma_start3A_72 : memref<8x1024xf32, #tpu.memory_space<hbm>>) target(%arg11 : memref<8x1024xf32, #tpu.memory_space<vmem>>) target_semaphore(%arg23 : memref<!tpu.dma_semaphore, #tpu.memory_space<semaphore_mem>>)
    %add3A_73 = arith.constant 16 : i32
    %add3A_74 = arith.addi %mul3A_2, %add3A_73 : i32
    %dma_wait3A_75 = arith.constant 0 : i32
    %dma_wait3A_76 = tpu.memref_slice %arg2[%add3A_74, %dma_wait3A_75] : memref<8192x1024xf32, #tpu.memory_space<hbm>> -> memref<8x1024xf32, #tpu.memory_space<hbm>>
    %dma_wait3A_77 = arith.constant 0 : i32
    %dma_wait3A_78 = tpu.memref_slice %arg2[%add3A_74, %dma_wait3A_77] : memref<8192x1024xf32, #tpu.memory_space<hbm>> -> memref<8x1024xf32, #tpu.memory_space<hbm>>
    tpu.wait_dma2 semaphore(%arg18 : memref<!tpu.dma_semaphore, #tpu.memory_space<semaphore_mem>>) src(%dma_wait3A_78 : memref<8x1024xf32, #tpu.memory_space<hbm>>) dst(%arg6 : memref<8x1024xf32, #tpu.memory_space<vmem>>)
    %add3A_79 = arith.constant 16 : i32
    %add3A_80 = arith.addi %mul3A_2, %add3A_79 : i32
    %dma_start3A_81 = arith.constant 0 : i32
    %dma_start3A_82 = tpu.memref_slice %arg3[%add3A_80, %dma_start3A_81] : memref<8192x1024xf32, #tpu.memory_space<hbm>> -> memref<8x1024xf32, #tpu.memory_space<hbm>>
    %dma_start3A_83 = arith.constant 0 : i32
    %dma_start3A_84 = tpu.memref_slice %arg3[%add3A_80, %dma_start3A_83] : memref<8192x1024xf32, #tpu.memory_space<hbm>> -> memref<8x1024xf32, #tpu.memory_space<hbm>>
    tpu.enqueue_dma source(%arg6 : memref<8x1024xf32, #tpu.memory_space<vmem>>) target(%dma_start3A_84 : memref<8x1024xf32, #tpu.memory_space<hbm>>) target_semaphore(%arg30 : memref<!tpu.dma_semaphore, #tpu.memory_space<semaphore_mem>>)
    %add3A_85 = arith.constant 64 : i32
    %add3A_86 = arith.addi %mul3A_2, %add3A_85 : i32
    %dma_start3A_87 = arith.constant 0 : i32
    %dma_start3A_88 = tpu.memref_slice %arg2[%add3A_86, %dma_start3A_87] : memref<8192x1024xf32, #tpu.memory_space<hbm>> -> memref<8x1024xf32, #tpu.memory_space<hbm>>
    %dma_start3A_89 = arith.constant 0 : i32
    %dma_start3A_90 = tpu.memref_slice %arg2[%add3A_86, %dma_start3A_89] : memref<8192x1024xf32, #tpu.memory_space<hbm>> -> memref<8x1024xf32, #tpu.memory_space<hbm>>
    tpu.enqueue_dma source(%dma_start3A_90 : memref<8x1024xf32, #tpu.memory_space<hbm>>) target(%arg12 : memref<8x1024xf32, #tpu.memory_space<vmem>>) target_semaphore(%arg24 : memref<!tpu.dma_semaphore, #tpu.memory_space<semaphore_mem>>)
    %add3A_91 = arith.constant 24 : i32
    %add3A_92 = arith.addi %mul3A_2, %add3A_91 : i32
    %dma_wait3A_93 = arith.constant 0 : i32
    %dma_wait3A_94 = tpu.memref_slice %arg2[%add3A_92, %dma_wait3A_93] : memref<8192x1024xf32, #tpu.memory_space<hbm>> -> memref<8x1024xf32, #tpu.memory_space<hbm>>
    %dma_wait3A_95 = arith.constant 0 : i32
    %dma_wait3A_96 = tpu.memref_slice %arg2[%add3A_92, %dma_wait3A_95] : memref<8192x1024xf32, #tpu.memory_space<hbm>> -> memref<8x1024xf32, #tpu.memory_space<hbm>>
    tpu.wait_dma2 semaphore(%arg19 : memref<!tpu.dma_semaphore, #tpu.memory_space<semaphore_mem>>) src(%dma_wait3A_96 : memref<8x1024xf32, #tpu.memory_space<hbm>>) dst(%arg7 : memref<8x1024xf32, #tpu.memory_space<vmem>>)
    %add3A_97 = arith.constant 24 : i32
    %add3A_98 = arith.addi %mul3A_2, %add3A_97 : i32
    %dma_start3A_99 = arith.constant 0 : i32
    %dma_start3A_100 = tpu.memref_slice %arg3[%add3A_98, %dma_start3A_99] : memref<8192x1024xf32, #tpu.memory_space<hbm>> -> memref<8x1024xf32, #tpu.memory_space<hbm>>
    %dma_start3A_101 = arith.constant 0 : i32
    %dma_start3A_102 = tpu.memref_slice %arg3[%add3A_98, %dma_start3A_101] : memref<8192x1024xf32, #tpu.memory_space<hbm>> -> memref<8x1024xf32, #tpu.memory_space<hbm>>
    tpu.enqueue_dma source(%arg7 : memref<8x1024xf32, #tpu.memory_space<vmem>>) target(%dma_start3A_102 : memref<8x1024xf32, #tpu.memory_space<hbm>>) target_semaphore(%arg31 : memref<!tpu.dma_semaphore, #tpu.memory_space<semaphore_mem>>)
    %add3A_103 = arith.constant 72 : i32
    %add3A_104 = arith.addi %mul3A_2, %add3A_103 : i32
    %dma_start3A_105 = arith.constant 0 : i32
    %dma_start3A_106 = tpu.memref_slice %arg2[%add3A_104, %dma_start3A_105] : memref<8192x1024xf32, #tpu.memory_space<hbm>> -> memref<8x1024xf32, #tpu.memory_space<hbm>>
    %dma_start3A_107 = arith.constant 0 : i32
    %dma_start3A_108 = tpu.memref_slice %arg2[%add3A_104, %dma_start3A_107] : memref<8192x1024xf32, #tpu.memory_space<hbm>> -> memref<8x1024xf32, #tpu.memory_space<hbm>>
    tpu.enqueue_dma source(%dma_start3A_108 : memref<8x1024xf32, #tpu.memory_space<hbm>>) target(%arg13 : memref<8x1024xf32, #tpu.memory_space<vmem>>) target_semaphore(%arg25 : memref<!tpu.dma_semaphore, #tpu.memory_space<semaphore_mem>>)
    %add3A_109 = arith.constant 32 : i32
    %add3A_110 = arith.addi %mul3A_2, %add3A_109 : i32
    %dma_wait3A_111 = arith.constant 0 : i32
    %dma_wait3A_112 = tpu.memref_slice %arg2[%add3A_110, %dma_wait3A_111] : memref<8192x1024xf32, #tpu.memory_space<hbm>> -> memref<8x1024xf32, #tpu.memory_space<hbm>>
    %dma_wait3A_113 = arith.constant 0 : i32
    %dma_wait3A_114 = tpu.memref_slice %arg2[%add3A_110, %dma_wait3A_113] : memref<8192x1024xf32, #tpu.memory_space<hbm>> -> memref<8x1024xf32, #tpu.memory_space<hbm>>
    tpu.wait_dma2 semaphore(%arg20 : memref<!tpu.dma_semaphore, #tpu.memory_space<semaphore_mem>>) src(%dma_wait3A_114 : memref<8x1024xf32, #tpu.memory_space<hbm>>) dst(%arg8 : memref<8x1024xf32, #tpu.memory_space<vmem>>)
    %add3A_115 = arith.constant 32 : i32
    %add3A_116 = arith.addi %mul3A_2, %add3A_115 : i32
    %dma_start3A_117 = arith.constant 0 : i32
    %dma_start3A_118 = tpu.memref_slice %arg3[%add3A_116, %dma_start3A_117] : memref<8192x1024xf32, #tpu.memory_space<hbm>> -> memref<8x1024xf32, #tpu.memory_space<hbm>>
    %dma_start3A_119 = arith.constant 0 : i32
    %dma_start3A_120 = tpu.memref_slice %arg3[%add3A_116, %dma_start3A_119] : memref<8192x1024xf32, #tpu.memory_space<hbm>> -> memref<8x1024xf32, #tpu.memory_space<hbm>>
    tpu.enqueue_dma source(%arg8 : memref<8x1024xf32, #tpu.memory_space<vmem>>) target(%dma_start3A_120 : memref<8x1024xf32, #tpu.memory_space<hbm>>) target_semaphore(%arg32 : memref<!tpu.dma_semaphore, #tpu.memory_space<semaphore_mem>>)
    %add3A_121 = arith.constant 80 : i32
    %add3A_122 = arith.addi %mul3A_2, %add3A_121 : i32
    %dma_start3A_123 = arith.constant 0 : i32
    %dma_start3A_124 = tpu.memref_slice %arg2[%add3A_122, %dma_start3A_123] : memref<8192x1024xf32, #tpu.memory_space<hbm>> -> memref<8x1024xf32, #tpu.memory_space<hbm>>
    %dma_start3A_125 = arith.constant 0 : i32
    %dma_start3A_126 = tpu.memref_slice %arg2[%add3A_122, %dma_start3A_125] : memref<8192x1024xf32, #tpu.memory_space<hbm>> -> memref<8x1024xf32, #tpu.memory_space<hbm>>
    tpu.enqueue_dma source(%dma_start3A_126 : memref<8x1024xf32, #tpu.memory_space<hbm>>) target(%arg14 : memref<8x1024xf32, #tpu.memory_space<vmem>>) target_semaphore(%arg26 : memref<!tpu.dma_semaphore, #tpu.memory_space<semaphore_mem>>)
    %add3A_127 = arith.constant 40 : i32
    %add3A_128 = arith.addi %mul3A_2, %add3A_127 : i32
    %dma_wait3A_129 = arith.constant 0 : i32
    %dma_wait3A_130 = tpu.memref_slice %arg2[%add3A_128, %dma_wait3A_129] : memref<8192x1024xf32, #tpu.memory_space<hbm>> -> memref<8x1024xf32, #tpu.memory_space<hbm>>
    %dma_wait3A_131 = arith.constant 0 : i32
    %dma_wait3A_132 = tpu.memref_slice %arg2[%add3A_128, %dma_wait3A_131] : memref<8192x1024xf32, #tpu.memory_space<hbm>> -> memref<8x1024xf32, #tpu.memory_space<hbm>>
    tpu.wait_dma2 semaphore(%arg21 : memref<!tpu.dma_semaphore, #tpu.memory_space<semaphore_mem>>) src(%dma_wait3A_132 : memref<8x1024xf32, #tpu.memory_space<hbm>>) dst(%arg9 : memref<8x1024xf32, #tpu.memory_space<vmem>>)
    %add3A_133 = arith.constant 40 : i32
    %add3A_134 = arith.addi %mul3A_2, %add3A_133 : i32
    %dma_start3A_135 = arith.constant 0 : i32
    %dma_start3A_136 = tpu.memref_slice %arg3[%add3A_134, %dma_start3A_135] : memref<8192x1024xf32, #tpu.memory_space<hbm>> -> memref<8x1024xf32, #tpu.memory_space<hbm>>
    %dma_start3A_137 = arith.constant 0 : i32
    %dma_start3A_138 = tpu.memref_slice %arg3[%add3A_134, %dma_start3A_137] : memref<8192x1024xf32, #tpu.memory_space<hbm>> -> memref<8x1024xf32, #tpu.memory_space<hbm>>
    tpu.enqueue_dma source(%arg9 : memref<8x1024xf32, #tpu.memory_space<vmem>>) target(%dma_start3A_138 : memref<8x1024xf32, #tpu.memory_space<hbm>>) target_semaphore(%arg33 : memref<!tpu.dma_semaphore, #tpu.memory_space<semaphore_mem>>)
    %add3A_139 = arith.constant 88 : i32
    %add3A_140 = arith.addi %mul3A_2, %add3A_139 : i32
    %dma_start3A_141 = arith.constant 0 : i32
    %dma_start3A_142 = tpu.memref_slice %arg2[%add3A_140, %dma_start3A_141] : memref<8192x1024xf32, #tpu.memory_space<hbm>> -> memref<8x1024xf32, #tpu.memory_space<hbm>>
    %dma_start3A_143 = arith.constant 0 : i32
    %dma_start3A_144 = tpu.memref_slice %arg2[%add3A_140, %dma_start3A_143] : memref<8192x1024xf32, #tpu.memory_space<hbm>> -> memref<8x1024xf32, #tpu.memory_space<hbm>>
    tpu.enqueue_dma source(%dma_start3A_144 : memref<8x1024xf32, #tpu.memory_space<hbm>>) target(%arg15 : memref<8x1024xf32, #tpu.memory_space<vmem>>) target_semaphore(%arg27 : memref<!tpu.dma_semaphore, #tpu.memory_space<semaphore_mem>>)
    %add3A_145 = arith.constant 48 : i32
    %add3A_146 = arith.addi %mul3A_2, %add3A_145 : i32
    %dma_wait3A_147 = arith.constant 0 : i32
    %dma_wait3A_148 = tpu.memref_slice %arg2[%add3A_146, %dma_wait3A_147] : memref<8192x1024xf32, #tpu.memory_space<hbm>> -> memref<8x1024xf32, #tpu.memory_space<hbm>>
    %dma_wait3A_149 = arith.constant 0 : i32
    %dma_wait3A_150 = tpu.memref_slice %arg2[%add3A_146, %dma_wait3A_149] : memref<8192x1024xf32, #tpu.memory_space<hbm>> -> memref<8x1024xf32, #tpu.memory_space<hbm>>
    tpu.wait_dma2 semaphore(%arg22 : memref<!tpu.dma_semaphore, #tpu.memory_space<semaphore_mem>>) src(%dma_wait3A_150 : memref<8x1024xf32, #tpu.memory_space<hbm>>) dst(%arg10 : memref<8x1024xf32, #tpu.memory_space<vmem>>)
    %add3A_151 = arith.constant 48 : i32
    %add3A_152 = arith.addi %mul3A_2, %add3A_151 : i32
    %dma_start3A_153 = arith.constant 0 : i32
    %dma_start3A_154 = tpu.memref_slice %arg3[%add3A_152, %dma_start3A_153] : memref<8192x1024xf32, #tpu.memory_space<hbm>> -> memref<8x1024xf32, #tpu.memory_space<hbm>>
    %dma_start3A_155 = arith.constant 0 : i32
    %dma_start3A_156 = tpu.memref_slice %arg3[%add3A_152, %dma_start3A_155] : memref<8192x1024xf32, #tpu.memory_space<hbm>> -> memref<8x1024xf32, #tpu.memory_space<hbm>>
    tpu.enqueue_dma source(%arg10 : memref<8x1024xf32, #tpu.memory_space<vmem>>) target(%dma_start3A_156 : memref<8x1024xf32, #tpu.memory_space<hbm>>) target_semaphore(%arg34 : memref<!tpu.dma_semaphore, #tpu.memory_space<semaphore_mem>>)
    %add3A_157 = arith.constant 0 : i32
    %add3A_158 = arith.addi %mul3A_2, %add3A_157 : i32
    %dma_wait3A_159 = arith.constant 0 : i32
    %dma_wait3A_160 = tpu.memref_slice %arg3[%add3A_158, %dma_wait3A_159] : memref<8192x1024xf32, #tpu.memory_space<hbm>> -> memref<8x1024xf32, #tpu.memory_space<hbm>>
    %dma_wait3A_161 = arith.constant 0 : i32
    %dma_wait3A_162 = tpu.memref_slice %arg3[%add3A_158, %dma_wait3A_161] : memref<8192x1024xf32, #tpu.memory_space<hbm>> -> memref<8x1024xf32, #tpu.memory_space<hbm>>
    tpu.wait_dma2 semaphore(%arg28 : memref<!tpu.dma_semaphore, #tpu.memory_space<semaphore_mem>>) src(%arg4 : memref<8x1024xf32, #tpu.memory_space<vmem>>) dst(%dma_wait3A_162 : memref<8x1024xf32, #tpu.memory_space<hbm>>)
    %add3A_163 = arith.constant 96 : i32
    %add3A_164 = arith.addi %mul3A_2, %add3A_163 : i32
    %dma_start3A_165 = arith.constant 0 : i32
    %dma_start3A_166 = tpu.memref_slice %arg2[%add3A_164, %dma_start3A_165] : memref<8192x1024xf32, #tpu.memory_space<hbm>> -> memref<8x1024xf32, #tpu.memory_space<hbm>>
    %dma_start3A_167 = arith.constant 0 : i32
    %dma_start3A_168 = tpu.memref_slice %arg2[%add3A_164, %dma_start3A_167] : memref<8192x1024xf32, #tpu.memory_space<hbm>> -> memref<8x1024xf32, #tpu.memory_space<hbm>>
    tpu.enqueue_dma source(%dma_start3A_168 : memref<8x1024xf32, #tpu.memory_space<hbm>>) target(%arg4 : memref<8x1024xf32, #tpu.memory_space<vmem>>) target_semaphore(%arg16 : memref<!tpu.dma_semaphore, #tpu.memory_space<semaphore_mem>>)
    %add3A_169 = arith.constant 56 : i32
    %add3A_170 = arith.addi %mul3A_2, %add3A_169 : i32
    %dma_wait3A_171 = arith.constant 0 : i32
    %dma_wait3A_172 = tpu.memref_slice %arg2[%add3A_170, %dma_wait3A_171] : memref<8192x1024xf32, #tpu.memory_space<hbm>> -> memref<8x1024xf32, #tpu.memory_space<hbm>>
    %dma_wait3A_173 = arith.constant 0 : i32
    %dma_wait3A_174 = tpu.memref_slice %arg2[%add3A_170, %dma_wait3A_173] : memref<8192x1024xf32, #tpu.memory_space<hbm>> -> memref<8x1024xf32, #tpu.memory_space<hbm>>
    tpu.wait_dma2 semaphore(%arg23 : memref<!tpu.dma_semaphore, #tpu.memory_space<semaphore_mem>>) src(%dma_wait3A_174 : memref<8x1024xf32, #tpu.memory_space<hbm>>) dst(%arg11 : memref<8x1024xf32, #tpu.memory_space<vmem>>)
    %add3A_175 = arith.constant 56 : i32
    %add3A_176 = arith.addi %mul3A_2, %add3A_175 : i32
    %dma_start3A_177 = arith.constant 0 : i32
    %dma_start3A_178 = tpu.memref_slice %arg3[%add3A_176, %dma_start3A_177] : memref<8192x1024xf32, #tpu.memory_space<hbm>> -> memref<8x1024xf32, #tpu.memory_space<hbm>>
    %dma_start3A_179 = arith.constant 0 : i32
    %dma_start3A_180 = tpu.memref_slice %arg3[%add3A_176, %dma_start3A_179] : memref<8192x1024xf32, #tpu.memory_space<hbm>> -> memref<8x1024xf32, #tpu.memory_space<hbm>>
    tpu.enqueue_dma source(%arg11 : memref<8x1024xf32, #tpu.memory_space<vmem>>) target(%dma_start3A_180 : memref<8x1024xf32, #tpu.memory_space<hbm>>) target_semaphore(%arg35 : memref<!tpu.dma_semaphore, #tpu.memory_space<semaphore_mem>>)
    %add3A_181 = arith.constant 8 : i32
    %add3A_182 = arith.addi %mul3A_2, %add3A_181 : i32
    %dma_wait3A_183 = arith.constant 0 : i32
    %dma_wait3A_184 = tpu.memref_slice %arg3[%add3A_182, %dma_wait3A_183] : memref<8192x1024xf32, #tpu.memory_space<hbm>> -> memref<8x1024xf32, #tpu.memory_space<hbm>>
    %dma_wait3A_185 = arith.constant 0 : i32
    %dma_wait3A_186 = tpu.memref_slice %arg3[%add3A_182, %dma_wait3A_185] : memref<8192x1024xf32, #tpu.memory_space<hbm>> -> memref<8x1024xf32, #tpu.memory_space<hbm>>
    tpu.wait_dma2 semaphore(%arg29 : memref<!tpu.dma_semaphore, #tpu.memory_space<semaphore_mem>>) src(%arg5 : memref<8x1024xf32, #tpu.memory_space<vmem>>) dst(%dma_wait3A_186 : memref<8x1024xf32, #tpu.memory_space<hbm>>)
    %add3A_187 = arith.constant 104 : i32
    %add3A_188 = arith.addi %mul3A_2, %add3A_187 : i32
    %dma_start3A_189 = arith.constant 0 : i32
    %dma_start3A_190 = tpu.memref_slice %arg2[%add3A_188, %dma_start3A_189] : memref<8192x1024xf32, #tpu.memory_space<hbm>> -> memref<8x1024xf32, #tpu.memory_space<hbm>>
    %dma_start3A_191 = arith.constant 0 : i32
    %dma_start3A_192 = tpu.memref_slice %arg2[%add3A_188, %dma_start3A_191] : memref<8192x1024xf32, #tpu.memory_space<hbm>> -> memref<8x1024xf32, #tpu.memory_space<hbm>>
    tpu.enqueue_dma source(%dma_start3A_192 : memref<8x1024xf32, #tpu.memory_space<hbm>>) target(%arg5 : memref<8x1024xf32, #tpu.memory_space<vmem>>) target_semaphore(%arg17 : memref<!tpu.dma_semaphore, #tpu.memory_space<semaphore_mem>>)
    %add3A_193 = arith.constant 64 : i32
    %add3A_194 = arith.addi %mul3A_2, %add3A_193 : i32
    %dma_wait3A_195 = arith.constant 0 : i32
    %dma_wait3A_196 = tpu.memref_slice %arg2[%add3A_194, %dma_wait3A_195] : memref<8192x1024xf32, #tpu.memory_space<hbm>> -> memref<8x1024xf32, #tpu.memory_space<hbm>>
    %dma_wait3A_197 = arith.constant 0 : i32
    %dma_wait3A_198 = tpu.memref_slice %arg2[%add3A_194, %dma_wait3A_197] : memref<8192x1024xf32, #tpu.memory_space<hbm>> -> memref<8x1024xf32, #tpu.memory_space<hbm>>
    tpu.wait_dma2 semaphore(%arg24 : memref<!tpu.dma_semaphore, #tpu.memory_space<semaphore_mem>>) src(%dma_wait3A_198 : memref<8x1024xf32, #tpu.memory_space<hbm>>) dst(%arg12 : memref<8x1024xf32, #tpu.memory_space<vmem>>)
    %add3A_199 = arith.constant 64 : i32
    %add3A_200 = arith.addi %mul3A_2, %add3A_199 : i32
    %dma_start3A_201 = arith.constant 0 : i32
    %dma_start3A_202 = tpu.memref_slice %arg3[%add3A_200, %dma_start3A_201] : memref<8192x1024xf32, #tpu.memory_space<hbm>> -> memref<8x1024xf32, #tpu.memory_space<hbm>>
    %dma_start3A_203 = arith.constant 0 : i32
    %dma_start3A_204 = tpu.memref_slice %arg3[%add3A_200, %dma_start3A_203] : memref<8192x1024xf32, #tpu.memory_space<hbm>> -> memref<8x1024xf32, #tpu.memory_space<hbm>>
    tpu.enqueue_dma source(%arg12 : memref<8x1024xf32, #tpu.memory_space<vmem>>) target(%dma_start3A_204 : memref<8x1024xf32, #tpu.memory_space<hbm>>) target_semaphore(%arg36 : memref<!tpu.dma_semaphore, #tpu.memory_space<semaphore_mem>>)
    %add3A_205 = arith.constant 16 : i32
    %add3A_206 = arith.addi %mul3A_2, %add3A_205 : i32
    %dma_wait3A_207 = arith.constant 0 : i32
    %dma_wait3A_208 = tpu.memref_slice %arg3[%add3A_206, %dma_wait3A_207] : memref<8192x1024xf32, #tpu.memory_space<hbm>> -> memref<8x1024xf32, #tpu.memory_space<hbm>>
    %dma_wait3A_209 = arith.constant 0 : i32
    %dma_wait3A_210 = tpu.memref_slice %arg3[%add3A_206, %dma_wait3A_209] : memref<8192x1024xf32, #tpu.memory_space<hbm>> -> memref<8x1024xf32, #tpu.memory_space<hbm>>
    tpu.wait_dma2 semaphore(%arg30 : memref<!tpu.dma_semaphore, #tpu.memory_space<semaphore_mem>>) src(%arg6 : memref<8x1024xf32, #tpu.memory_space<vmem>>) dst(%dma_wait3A_210 : memref<8x1024xf32, #tpu.memory_space<hbm>>)
    %add3A_211 = arith.constant 112 : i32
    %add3A_212 = arith.addi %mul3A_2, %add3A_211 : i32
    %dma_start3A_213 = arith.constant 0 : i32
    %dma_start3A_214 = tpu.memref_slice %arg2[%add3A_212, %dma_start3A_213] : memref<8192x1024xf32, #tpu.memory_space<hbm>> -> memref<8x1024xf32, #tpu.memory_space<hbm>>
    %dma_start3A_215 = arith.constant 0 : i32
    %dma_start3A_216 = tpu.memref_slice %arg2[%add3A_212, %dma_start3A_215] : memref<8192x1024xf32, #tpu.memory_space<hbm>> -> memref<8x1024xf32, #tpu.memory_space<hbm>>
    tpu.enqueue_dma source(%dma_start3A_216 : memref<8x1024xf32, #tpu.memory_space<hbm>>) target(%arg6 : memref<8x1024xf32, #tpu.memory_space<vmem>>) target_semaphore(%arg18 : memref<!tpu.dma_semaphore, #tpu.memory_space<semaphore_mem>>)
    %add3A_217 = arith.constant 72 : i32
    %add3A_218 = arith.addi %mul3A_2, %add3A_217 : i32
    %dma_wait3A_219 = arith.constant 0 : i32
    %dma_wait3A_220 = tpu.memref_slice %arg2[%add3A_218, %dma_wait3A_219] : memref<8192x1024xf32, #tpu.memory_space<hbm>> -> memref<8x1024xf32, #tpu.memory_space<hbm>>
    %dma_wait3A_221 = arith.constant 0 : i32
    %dma_wait3A_222 = tpu.memref_slice %arg2[%add3A_218, %dma_wait3A_221] : memref<8192x1024xf32, #tpu.memory_space<hbm>> -> memref<8x1024xf32, #tpu.memory_space<hbm>>
    tpu.wait_dma2 semaphore(%arg25 : memref<!tpu.dma_semaphore, #tpu.memory_space<semaphore_mem>>) src(%dma_wait3A_222 : memref<8x1024xf32, #tpu.memory_space<hbm>>) dst(%arg13 : memref<8x1024xf32, #tpu.memory_space<vmem>>)
    %add3A_223 = arith.constant 72 : i32
    %add3A_224 = arith.addi %mul3A_2, %add3A_223 : i32
    %dma_start3A_225 = arith.constant 0 : i32
    %dma_start3A_226 = tpu.memref_slice %arg3[%add3A_224, %dma_start3A_225] : memref<8192x1024xf32, #tpu.memory_space<hbm>> -> memref<8x1024xf32, #tpu.memory_space<hbm>>
    %dma_start3A_227 = arith.constant 0 : i32
    %dma_start3A_228 = tpu.memref_slice %arg3[%add3A_224, %dma_start3A_227] : memref<8192x1024xf32, #tpu.memory_space<hbm>> -> memref<8x1024xf32, #tpu.memory_space<hbm>>
    tpu.enqueue_dma source(%arg13 : memref<8x1024xf32, #tpu.memory_space<vmem>>) target(%dma_start3A_228 : memref<8x1024xf32, #tpu.memory_space<hbm>>) target_semaphore(%arg37 : memref<!tpu.dma_semaphore, #tpu.memory_space<semaphore_mem>>)
    %add3A_229 = arith.constant 24 : i32
    %add3A_230 = arith.addi %mul3A_2, %add3A_229 : i32
    %dma_wait3A_231 = arith.constant 0 : i32
    %dma_wait3A_232 = tpu.memref_slice %arg3[%add3A_230, %dma_wait3A_231] : memref<8192x1024xf32, #tpu.memory_space<hbm>> -> memref<8x1024xf32, #tpu.memory_space<hbm>>
    %dma_wait3A_233 = arith.constant 0 : i32
    %dma_wait3A_234 = tpu.memref_slice %arg3[%add3A_230, %dma_wait3A_233] : memref<8192x1024xf32, #tpu.memory_space<hbm>> -> memref<8x1024xf32, #tpu.memory_space<hbm>>
    tpu.wait_dma2 semaphore(%arg31 : memref<!tpu.dma_semaphore, #tpu.memory_space<semaphore_mem>>) src(%arg7 : memref<8x1024xf32, #tpu.memory_space<vmem>>) dst(%dma_wait3A_234 : memref<8x1024xf32, #tpu.memory_space<hbm>>)
    %add3A_235 = arith.constant 120 : i32
    %add3A_236 = arith.addi %mul3A_2, %add3A_235 : i32
    %dma_start3A_237 = arith.constant 0 : i32
    %dma_start3A_238 = tpu.memref_slice %arg2[%add3A_236, %dma_start3A_237] : memref<8192x1024xf32, #tpu.memory_space<hbm>> -> memref<8x1024xf32, #tpu.memory_space<hbm>>
    %dma_start3A_239 = arith.constant 0 : i32
    %dma_start3A_240 = tpu.memref_slice %arg2[%add3A_236, %dma_start3A_239] : memref<8192x1024xf32, #tpu.memory_space<hbm>> -> memref<8x1024xf32, #tpu.memory_space<hbm>>
    tpu.enqueue_dma source(%dma_start3A_240 : memref<8x1024xf32, #tpu.memory_space<hbm>>) target(%arg7 : memref<8x1024xf32, #tpu.memory_space<vmem>>) target_semaphore(%arg19 : memref<!tpu.dma_semaphore, #tpu.memory_space<semaphore_mem>>)
    %add3A_241 = arith.constant 80 : i32
    %add3A_242 = arith.addi %mul3A_2, %add3A_241 : i32
    %dma_wait3A_243 = arith.constant 0 : i32
    %dma_wait3A_244 = tpu.memref_slice %arg2[%add3A_242, %dma_wait3A_243] : memref<8192x1024xf32, #tpu.memory_space<hbm>> -> memref<8x1024xf32, #tpu.memory_space<hbm>>
    %dma_wait3A_245 = arith.constant 0 : i32
    %dma_wait3A_246 = tpu.memref_slice %arg2[%add3A_242, %dma_wait3A_245] : memref<8192x1024xf32, #tpu.memory_space<hbm>> -> memref<8x1024xf32, #tpu.memory_space<hbm>>
    tpu.wait_dma2 semaphore(%arg26 : memref<!tpu.dma_semaphore, #tpu.memory_space<semaphore_mem>>) src(%dma_wait3A_246 : memref<8x1024xf32, #tpu.memory_space<hbm>>) dst(%arg14 : memref<8x1024xf32, #tpu.memory_space<vmem>>)
    %add3A_247 = arith.constant 80 : i32
    %add3A_248 = arith.addi %mul3A_2, %add3A_247 : i32
    %dma_start3A_249 = arith.constant 0 : i32
    %dma_start3A_250 = tpu.memref_slice %arg3[%add3A_248, %dma_start3A_249] : memref<8192x1024xf32, #tpu.memory_space<hbm>> -> memref<8x1024xf32, #tpu.memory_space<hbm>>
    %dma_start3A_251 = arith.constant 0 : i32
    %dma_start3A_252 = tpu.memref_slice %arg3[%add3A_248, %dma_start3A_251] : memref<8192x1024xf32, #tpu.memory_space<hbm>> -> memref<8x1024xf32, #tpu.memory_space<hbm>>
    tpu.enqueue_dma source(%arg14 : memref<8x1024xf32, #tpu.memory_space<vmem>>) target(%dma_start3A_252 : memref<8x1024xf32, #tpu.memory_space<hbm>>) target_semaphore(%arg38 : memref<!tpu.dma_semaphore, #tpu.memory_space<semaphore_mem>>)
    %add3A_253 = arith.constant 32 : i32
    %add3A_254 = arith.addi %mul3A_2, %add3A_253 : i32
    %dma_wait3A_255 = arith.constant 0 : i32
    %dma_wait3A_256 = tpu.memref_slice %arg3[%add3A_254, %dma_wait3A_255] : memref<8192x1024xf32, #tpu.memory_space<hbm>> -> memref<8x1024xf32, #tpu.memory_space<hbm>>
    %dma_wait3A_257 = arith.constant 0 : i32
    %dma_wait3A_258 = tpu.memref_slice %arg3[%add3A_254, %dma_wait3A_257] : memref<8192x1024xf32, #tpu.memory_space<hbm>> -> memref<8x1024xf32, #tpu.memory_space<hbm>>
    tpu.wait_dma2 semaphore(%arg32 : memref<!tpu.dma_semaphore, #tpu.memory_space<semaphore_mem>>) src(%arg8 : memref<8x1024xf32, #tpu.memory_space<vmem>>) dst(%dma_wait3A_258 : memref<8x1024xf32, #tpu.memory_space<hbm>>)
    %add3A_259 = arith.constant 128 : i32
    %add3A_260 = arith.addi %mul3A_2, %add3A_259 : i32
    %dma_start3A_261 = arith.constant 0 : i32
    %dma_start3A_262 = tpu.memref_slice %arg2[%add3A_260, %dma_start3A_261] : memref<8192x1024xf32, #tpu.memory_space<hbm>> -> memref<8x1024xf32, #tpu.memory_space<hbm>>
    %dma_start3A_263 = arith.constant 0 : i32
    %dma_start3A_264 = tpu.memref_slice %arg2[%add3A_260, %dma_start3A_263] : memref<8192x1024xf32, #tpu.memory_space<hbm>> -> memref<8x1024xf32, #tpu.memory_space<hbm>>
    tpu.enqueue_dma source(%dma_start3A_264 : memref<8x1024xf32, #tpu.memory_space<hbm>>) target(%arg8 : memref<8x1024xf32, #tpu.memory_space<vmem>>) target_semaphore(%arg20 : memref<!tpu.dma_semaphore, #tpu.memory_space<semaphore_mem>>)
    %add3A_265 = arith.constant 88 : i32
    %add3A_266 = arith.addi %mul3A_2, %add3A_265 : i32
    %dma_wait3A_267 = arith.constant 0 : i32
    %dma_wait3A_268 = tpu.memref_slice %arg2[%add3A_266, %dma_wait3A_267] : memref<8192x1024xf32, #tpu.memory_space<hbm>> -> memref<8x1024xf32, #tpu.memory_space<hbm>>
    %dma_wait3A_269 = arith.constant 0 : i32
    %dma_wait3A_270 = tpu.memref_slice %arg2[%add3A_266, %dma_wait3A_269] : memref<8192x1024xf32, #tpu.memory_space<hbm>> -> memref<8x1024xf32, #tpu.memory_space<hbm>>
    tpu.wait_dma2 semaphore(%arg27 : memref<!tpu.dma_semaphore, #tpu.memory_space<semaphore_mem>>) src(%dma_wait3A_270 : memref<8x1024xf32, #tpu.memory_space<hbm>>) dst(%arg15 : memref<8x1024xf32, #tpu.memory_space<vmem>>)
    %add3A_271 = arith.constant 88 : i32
    %add3A_272 = arith.addi %mul3A_2, %add3A_271 : i32
    %dma_start3A_273 = arith.constant 0 : i32
    %dma_start3A_274 = tpu.memref_slice %arg3[%add3A_272, %dma_start3A_273] : memref<8192x1024xf32, #tpu.memory_space<hbm>> -> memref<8x1024xf32, #tpu.memory_space<hbm>>
    %dma_start3A_275 = arith.constant 0 : i32
    %dma_start3A_276 = tpu.memref_slice %arg3[%add3A_272, %dma_start3A_275] : memref<8192x1024xf32, #tpu.memory_space<hbm>> -> memref<8x1024xf32, #tpu.memory_space<hbm>>
    tpu.enqueue_dma source(%arg15 : memref<8x1024xf32, #tpu.memory_space<vmem>>) target(%dma_start3A_276 : memref<8x1024xf32, #tpu.memory_space<hbm>>) target_semaphore(%arg39 : memref<!tpu.dma_semaphore, #tpu.memory_space<semaphore_mem>>)
    %add3A_277 = arith.constant 40 : i32
    %add3A_278 = arith.addi %mul3A_2, %add3A_277 : i32
    %dma_wait3A_279 = arith.constant 0 : i32
    %dma_wait3A_280 = tpu.memref_slice %arg3[%add3A_278, %dma_wait3A_279] : memref<8192x1024xf32, #tpu.memory_space<hbm>> -> memref<8x1024xf32, #tpu.memory_space<hbm>>
    %dma_wait3A_281 = arith.constant 0 : i32
    %dma_wait3A_282 = tpu.memref_slice %arg3[%add3A_278, %dma_wait3A_281] : memref<8192x1024xf32, #tpu.memory_space<hbm>> -> memref<8x1024xf32, #tpu.memory_space<hbm>>
    tpu.wait_dma2 semaphore(%arg33 : memref<!tpu.dma_semaphore, #tpu.memory_space<semaphore_mem>>) src(%arg9 : memref<8x1024xf32, #tpu.memory_space<vmem>>) dst(%dma_wait3A_282 : memref<8x1024xf32, #tpu.memory_space<hbm>>)
    %add3A_283 = arith.constant 136 : i32
    %add3A_284 = arith.addi %mul3A_2, %add3A_283 : i32
    %dma_start3A_285 = arith.constant 0 : i32
    %dma_start3A_286 = tpu.memref_slice %arg2[%add3A_284, %dma_start3A_285] : memref<8192x1024xf32, #tpu.memory_space<hbm>> -> memref<8x1024xf32, #tpu.memory_space<hbm>>
    %dma_start3A_287 = arith.constant 0 : i32
    %dma_start3A_288 = tpu.memref_slice %arg2[%add3A_284, %dma_start3A_287] : memref<8192x1024xf32, #tpu.memory_space<hbm>> -> memref<8x1024xf32, #tpu.memory_space<hbm>>
    tpu.enqueue_dma source(%dma_start3A_288 : memref<8x1024xf32, #tpu.memory_space<hbm>>) target(%arg9 : memref<8x1024xf32, #tpu.memory_space<vmem>>) target_semaphore(%arg21 : memref<!tpu.dma_semaphore, #tpu.memory_space<semaphore_mem>>)
    %add3A_289 = arith.constant 96 : i32
    %add3A_290 = arith.addi %mul3A_2, %add3A_289 : i32
    %dma_wait3A_291 = arith.constant 0 : i32
    %dma_wait3A_292 = tpu.memref_slice %arg2[%add3A_290, %dma_wait3A_291] : memref<8192x1024xf32, #tpu.memory_space<hbm>> -> memref<8x1024xf32, #tpu.memory_space<hbm>>
    %dma_wait3A_293 = arith.constant 0 : i32
    %dma_wait3A_294 = tpu.memref_slice %arg2[%add3A_290, %dma_wait3A_293] : memref<8192x1024xf32, #tpu.memory_space<hbm>> -> memref<8x1024xf32, #tpu.memory_space<hbm>>
    tpu.wait_dma2 semaphore(%arg16 : memref<!tpu.dma_semaphore, #tpu.memory_space<semaphore_mem>>) src(%dma_wait3A_294 : memref<8x1024xf32, #tpu.memory_space<hbm>>) dst(%arg4 : memref<8x1024xf32, #tpu.memory_space<vmem>>)
    %add3A_295 = arith.constant 96 : i32
    %add3A_296 = arith.addi %mul3A_2, %add3A_295 : i32
    %dma_start3A_297 = arith.constant 0 : i32
    %dma_start3A_298 = tpu.memref_slice %arg3[%add3A_296, %dma_start3A_297] : memref<8192x1024xf32, #tpu.memory_space<hbm>> -> memref<8x1024xf32, #tpu.memory_space<hbm>>
    %dma_start3A_299 = arith.constant 0 : i32
    %dma_start3A_300 = tpu.memref_slice %arg3[%add3A_296, %dma_start3A_299] : memref<8192x1024xf32, #tpu.memory_space<hbm>> -> memref<8x1024xf32, #tpu.memory_space<hbm>>
    tpu.enqueue_dma source(%arg4 : memref<8x1024xf32, #tpu.memory_space<vmem>>) target(%dma_start3A_300 : memref<8x1024xf32, #tpu.memory_space<hbm>>) target_semaphore(%arg28 : memref<!tpu.dma_semaphore, #tpu.memory_space<semaphore_mem>>)
    %add3A_301 = arith.constant 48 : i32
    %add3A_302 = arith.addi %mul3A_2, %add3A_301 : i32
    %dma_wait3A_303 = arith.constant 0 : i32
    %dma_wait3A_304 = tpu.memref_slice %arg3[%add3A_302, %dma_wait3A_303] : memref<8192x1024xf32, #tpu.memory_space<hbm>> -> memref<8x1024xf32, #tpu.memory_space<hbm>>
    %dma_wait3A_305 = arith.constant 0 : i32
    %dma_wait3A_306 = tpu.memref_slice %arg3[%add3A_302, %dma_wait3A_305] : memref<8192x1024xf32, #tpu.memory_space<hbm>> -> memref<8x1024xf32, #tpu.memory_space<hbm>>
    tpu.wait_dma2 semaphore(%arg34 : memref<!tpu.dma_semaphore, #tpu.memory_space<semaphore_mem>>) src(%arg10 : memref<8x1024xf32, #tpu.memory_space<vmem>>) dst(%dma_wait3A_306 : memref<8x1024xf32, #tpu.memory_space<hbm>>)
    %add3A_307 = arith.constant 144 : i32
    %add3A_308 = arith.addi %mul3A_2, %add3A_307 : i32
    %dma_start3A_309 = arith.constant 0 : i32
    %dma_start3A_310 = tpu.memref_slice %arg2[%add3A_308, %dma_start3A_309] : memref<8192x1024xf32, #tpu.memory_space<hbm>> -> memref<8x1024xf32, #tpu.memory_space<hbm>>
    %dma_start3A_311 = arith.constant 0 : i32
    %dma_start3A_312 = tpu.memref_slice %arg2[%add3A_308, %dma_start3A_311] : memref<8192x1024xf32, #tpu.memory_space<hbm>> -> memref<8x1024xf32, #tpu.memory_space<hbm>>
    tpu.enqueue_dma source(%dma_start3A_312 : memref<8x1024xf32, #tpu.memory_space<hbm>>) target(%arg10 : memref<8x1024xf32, #tpu.memory_space<vmem>>) target_semaphore(%arg22 : memref<!tpu.dma_semaphore, #tpu.memory_space<semaphore_mem>>)
    %add3A_313 = arith.constant 104 : i32
    %add3A_314 = arith.addi %mul3A_2, %add3A_313 : i32
    %dma_wait3A_315 = arith.constant 0 : i32
    %dma_wait3A_316 = tpu.memref_slice %arg2[%add3A_314, %dma_wait3A_315] : memref<8192x1024xf32, #tpu.memory_space<hbm>> -> memref<8x1024xf32, #tpu.memory_space<hbm>>
    %dma_wait3A_317 = arith.constant 0 : i32
    %dma_wait3A_318 = tpu.memref_slice %arg2[%add3A_314, %dma_wait3A_317] : memref<8192x1024xf32, #tpu.memory_space<hbm>> -> memref<8x1024xf32, #tpu.memory_space<hbm>>
    tpu.wait_dma2 semaphore(%arg17 : memref<!tpu.dma_semaphore, #tpu.memory_space<semaphore_mem>>) src(%dma_wait3A_318 : memref<8x1024xf32, #tpu.memory_space<hbm>>) dst(%arg5 : memref<8x1024xf32, #tpu.memory_space<vmem>>)
    %add3A_319 = arith.constant 104 : i32
    %add3A_320 = arith.addi %mul3A_2, %add3A_319 : i32
    %dma_start3A_321 = arith.constant 0 : i32
    %dma_start3A_322 = tpu.memref_slice %arg3[%add3A_320, %dma_start3A_321] : memref<8192x1024xf32, #tpu.memory_space<hbm>> -> memref<8x1024xf32, #tpu.memory_space<hbm>>
    %dma_start3A_323 = arith.constant 0 : i32
    %dma_start3A_324 = tpu.memref_slice %arg3[%add3A_320, %dma_start3A_323] : memref<8192x1024xf32, #tpu.memory_space<hbm>> -> memref<8x1024xf32, #tpu.memory_space<hbm>>
    tpu.enqueue_dma source(%arg5 : memref<8x1024xf32, #tpu.memory_space<vmem>>) target(%dma_start3A_324 : memref<8x1024xf32, #tpu.memory_space<hbm>>) target_semaphore(%arg29 : memref<!tpu.dma_semaphore, #tpu.memory_space<semaphore_mem>>)
    %add3A_325 = arith.constant 56 : i32
    %add3A_326 = arith.addi %mul3A_2, %add3A_325 : i32
    %dma_wait3A_327 = arith.constant 0 : i32
    %dma_wait3A_328 = tpu.memref_slice %arg3[%add3A_326, %dma_wait3A_327] : memref<8192x1024xf32, #tpu.memory_space<hbm>> -> memref<8x1024xf32, #tpu.memory_space<hbm>>
    %dma_wait3A_329 = arith.constant 0 : i32
    %dma_wait3A_330 = tpu.memref_slice %arg3[%add3A_326, %dma_wait3A_329] : memref<8192x1024xf32, #tpu.memory_space<hbm>> -> memref<8x1024xf32, #tpu.memory_space<hbm>>
    tpu.wait_dma2 semaphore(%arg35 : memref<!tpu.dma_semaphore, #tpu.memory_space<semaphore_mem>>) src(%arg11 : memref<8x1024xf32, #tpu.memory_space<vmem>>) dst(%dma_wait3A_330 : memref<8x1024xf32, #tpu.memory_space<hbm>>)
    %add3A_331 = arith.constant 152 : i32
    %add3A_332 = arith.addi %mul3A_2, %add3A_331 : i32
    %dma_start3A_333 = arith.constant 0 : i32
    %dma_start3A_334 = tpu.memref_slice %arg2[%add3A_332, %dma_start3A_333] : memref<8192x1024xf32, #tpu.memory_space<hbm>> -> memref<8x1024xf32, #tpu.memory_space<hbm>>
    %dma_start3A_335 = arith.constant 0 : i32
    %dma_start3A_336 = tpu.memref_slice %arg2[%add3A_332, %dma_start3A_335] : memref<8192x1024xf32, #tpu.memory_space<hbm>> -> memref<8x1024xf32, #tpu.memory_space<hbm>>
    tpu.enqueue_dma source(%dma_start3A_336 : memref<8x1024xf32, #tpu.memory_space<hbm>>) target(%arg11 : memref<8x1024xf32, #tpu.memory_space<vmem>>) target_semaphore(%arg23 : memref<!tpu.dma_semaphore, #tpu.memory_space<semaphore_mem>>)
    %add3A_337 = arith.constant 112 : i32
    %add3A_338 = arith.addi %mul3A_2, %add3A_337 : i32
    %dma_wait3A_339 = arith.constant 0 : i32
    %dma_wait3A_340 = tpu.memref_slice %arg2[%add3A_338, %dma_wait3A_339] : memref<8192x1024xf32, #tpu.memory_space<hbm>> -> memref<8x1024xf32, #tpu.memory_space<hbm>>
    %dma_wait3A_341 = arith.constant 0 : i32
    %dma_wait3A_342 = tpu.memref_slice %arg2[%add3A_338, %dma_wait3A_341] : memref<8192x1024xf32, #tpu.memory_space<hbm>> -> memref<8x1024xf32, #tpu.memory_space<hbm>>
    tpu.wait_dma2 semaphore(%arg18 : memref<!tpu.dma_semaphore, #tpu.memory_space<semaphore_mem>>) src(%dma_wait3A_342 : memref<8x1024xf32, #tpu.memory_space<hbm>>) dst(%arg6 : memref<8x1024xf32, #tpu.memory_space<vmem>>)
    %add3A_343 = arith.constant 112 : i32
    %add3A_344 = arith.addi %mul3A_2, %add3A_343 : i32
    %dma_start3A_345 = arith.constant 0 : i32
    %dma_start3A_346 = tpu.memref_slice %arg3[%add3A_344, %dma_start3A_345] : memref<8192x1024xf32, #tpu.memory_space<hbm>> -> memref<8x1024xf32, #tpu.memory_space<hbm>>
    %dma_start3A_347 = arith.constant 0 : i32
    %dma_start3A_348 = tpu.memref_slice %arg3[%add3A_344, %dma_start3A_347] : memref<8192x1024xf32, #tpu.memory_space<hbm>> -> memref<8x1024xf32, #tpu.memory_space<hbm>>
    tpu.enqueue_dma source(%arg6 : memref<8x1024xf32, #tpu.memory_space<vmem>>) target(%dma_start3A_348 : memref<8x1024xf32, #tpu.memory_space<hbm>>) target_semaphore(%arg30 : memref<!tpu.dma_semaphore, #tpu.memory_space<semaphore_mem>>)
    %add3A_349 = arith.constant 64 : i32
    %add3A_350 = arith.addi %mul3A_2, %add3A_349 : i32
    %dma_wait3A_351 = arith.constant 0 : i32
    %dma_wait3A_352 = tpu.memref_slice %arg3[%add3A_350, %dma_wait3A_351] : memref<8192x1024xf32, #tpu.memory_space<hbm>> -> memref<8x1024xf32, #tpu.memory_space<hbm>>
    %dma_wait3A_353 = arith.constant 0 : i32
    %dma_wait3A_354 = tpu.memref_slice %arg3[%add3A_350, %dma_wait3A_353] : memref<8192x1024xf32, #tpu.memory_space<hbm>> -> memref<8x1024xf32, #tpu.memory_space<hbm>>
    tpu.wait_dma2 semaphore(%arg36 : memref<!tpu.dma_semaphore, #tpu.memory_space<semaphore_mem>>) src(%arg12 : memref<8x1024xf32, #tpu.memory_space<vmem>>) dst(%dma_wait3A_354 : memref<8x1024xf32, #tpu.memory_space<hbm>>)
    %add3A_355 = arith.constant 160 : i32
    %add3A_356 = arith.addi %mul3A_2, %add3A_355 : i32
    %dma_start3A_357 = arith.constant 0 : i32
    %dma_start3A_358 = tpu.memref_slice %arg2[%add3A_356, %dma_start3A_357] : memref<8192x1024xf32, #tpu.memory_space<hbm>> -> memref<8x1024xf32, #tpu.memory_space<hbm>>
    %dma_start3A_359 = arith.constant 0 : i32
    %dma_start3A_360 = tpu.memref_slice %arg2[%add3A_356, %dma_start3A_359] : memref<8192x1024xf32, #tpu.memory_space<hbm>> -> memref<8x1024xf32, #tpu.memory_space<hbm>>
    tpu.enqueue_dma source(%dma_start3A_360 : memref<8x1024xf32, #tpu.memory_space<hbm>>) target(%arg12 : memref<8x1024xf32, #tpu.memory_space<vmem>>) target_semaphore(%arg24 : memref<!tpu.dma_semaphore, #tpu.memory_space<semaphore_mem>>)
    %add3A_361 = arith.constant 120 : i32
    %add3A_362 = arith.addi %mul3A_2, %add3A_361 : i32
    %dma_wait3A_363 = arith.constant 0 : i32
    %dma_wait3A_364 = tpu.memref_slice %arg2[%add3A_362, %dma_wait3A_363] : memref<8192x1024xf32, #tpu.memory_space<hbm>> -> memref<8x1024xf32, #tpu.memory_space<hbm>>
    %dma_wait3A_365 = arith.constant 0 : i32
    %dma_wait3A_366 = tpu.memref_slice %arg2[%add3A_362, %dma_wait3A_365] : memref<8192x1024xf32, #tpu.memory_space<hbm>> -> memref<8x1024xf32, #tpu.memory_space<hbm>>
    tpu.wait_dma2 semaphore(%arg19 : memref<!tpu.dma_semaphore, #tpu.memory_space<semaphore_mem>>) src(%dma_wait3A_366 : memref<8x1024xf32, #tpu.memory_space<hbm>>) dst(%arg7 : memref<8x1024xf32, #tpu.memory_space<vmem>>)
    %add3A_367 = arith.constant 120 : i32
    %add3A_368 = arith.addi %mul3A_2, %add3A_367 : i32
    %dma_start3A_369 = arith.constant 0 : i32
    %dma_start3A_370 = tpu.memref_slice %arg3[%add3A_368, %dma_start3A_369] : memref<8192x1024xf32, #tpu.memory_space<hbm>> -> memref<8x1024xf32, #tpu.memory_space<hbm>>
    %dma_start3A_371 = arith.constant 0 : i32
    %dma_start3A_372 = tpu.memref_slice %arg3[%add3A_368, %dma_start3A_371] : memref<8192x1024xf32, #tpu.memory_space<hbm>> -> memref<8x1024xf32, #tpu.memory_space<hbm>>
    tpu.enqueue_dma source(%arg7 : memref<8x1024xf32, #tpu.memory_space<vmem>>) target(%dma_start3A_372 : memref<8x1024xf32, #tpu.memory_space<hbm>>) target_semaphore(%arg31 : memref<!tpu.dma_semaphore, #tpu.memory_space<semaphore_mem>>)
    %add3A_373 = arith.constant 72 : i32
    %add3A_374 = arith.addi %mul3A_2, %add3A_373 : i32
    %dma_wait3A_375 = arith.constant 0 : i32
    %dma_wait3A_376 = tpu.memref_slice %arg3[%add3A_374, %dma_wait3A_375] : memref<8192x1024xf32, #tpu.memory_space<hbm>> -> memref<8x1024xf32, #tpu.memory_space<hbm>>
    %dma_wait3A_377 = arith.constant 0 : i32
    %dma_wait3A_378 = tpu.memref_slice %arg3[%add3A_374, %dma_wait3A_377] : memref<8192x1024xf32, #tpu.memory_space<hbm>> -> memref<8x1024xf32, #tpu.memory_space<hbm>>
    tpu.wait_dma2 semaphore(%arg37 : memref<!tpu.dma_semaphore, #tpu.memory_space<semaphore_mem>>) src(%arg13 : memref<8x1024xf32, #tpu.memory_space<vmem>>) dst(%dma_wait3A_378 : memref<8x1024xf32, #tpu.memory_space<hbm>>)
    %add3A_379 = arith.constant 168 : i32
    %add3A_380 = arith.addi %mul3A_2, %add3A_379 : i32
    %dma_start3A_381 = arith.constant 0 : i32
    %dma_start3A_382 = tpu.memref_slice %arg2[%add3A_380, %dma_start3A_381] : memref<8192x1024xf32, #tpu.memory_space<hbm>> -> memref<8x1024xf32, #tpu.memory_space<hbm>>
    %dma_start3A_383 = arith.constant 0 : i32
    %dma_start3A_384 = tpu.memref_slice %arg2[%add3A_380, %dma_start3A_383] : memref<8192x1024xf32, #tpu.memory_space<hbm>> -> memref<8x1024xf32, #tpu.memory_space<hbm>>
    tpu.enqueue_dma source(%dma_start3A_384 : memref<8x1024xf32, #tpu.memory_space<hbm>>) target(%arg13 : memref<8x1024xf32, #tpu.memory_space<vmem>>) target_semaphore(%arg25 : memref<!tpu.dma_semaphore, #tpu.memory_space<semaphore_mem>>)
    %add3A_385 = arith.constant 128 : i32
    %add3A_386 = arith.addi %mul3A_2, %add3A_385 : i32
    %dma_wait3A_387 = arith.constant 0 : i32
    %dma_wait3A_388 = tpu.memref_slice %arg2[%add3A_386, %dma_wait3A_387] : memref<8192x1024xf32, #tpu.memory_space<hbm>> -> memref<8x1024xf32, #tpu.memory_space<hbm>>
    %dma_wait3A_389 = arith.constant 0 : i32
    %dma_wait3A_390 = tpu.memref_slice %arg2[%add3A_386, %dma_wait3A_389] : memref<8192x1024xf32, #tpu.memory_space<hbm>> -> memref<8x1024xf32, #tpu.memory_space<hbm>>
    tpu.wait_dma2 semaphore(%arg20 : memref<!tpu.dma_semaphore, #tpu.memory_space<semaphore_mem>>) src(%dma_wait3A_390 : memref<8x1024xf32, #tpu.memory_space<hbm>>) dst(%arg8 : memref<8x1024xf32, #tpu.memory_space<vmem>>)
    %add3A_391 = arith.constant 128 : i32
    %add3A_392 = arith.addi %mul3A_2, %add3A_391 : i32
    %dma_start3A_393 = arith.constant 0 : i32
    %dma_start3A_394 = tpu.memref_slice %arg3[%add3A_392, %dma_start3A_393] : memref<8192x1024xf32, #tpu.memory_space<hbm>> -> memref<8x1024xf32, #tpu.memory_space<hbm>>
    %dma_start3A_395 = arith.constant 0 : i32
    %dma_start3A_396 = tpu.memref_slice %arg3[%add3A_392, %dma_start3A_395] : memref<8192x1024xf32, #tpu.memory_space<hbm>> -> memref<8x1024xf32, #tpu.memory_space<hbm>>
    tpu.enqueue_dma source(%arg8 : memref<8x1024xf32, #tpu.memory_space<vmem>>) target(%dma_start3A_396 : memref<8x1024xf32, #tpu.memory_space<hbm>>) target_semaphore(%arg32 : memref<!tpu.dma_semaphore, #tpu.memory_space<semaphore_mem>>)
    %add3A_397 = arith.constant 80 : i32
    %add3A_398 = arith.addi %mul3A_2, %add3A_397 : i32
    %dma_wait3A_399 = arith.constant 0 : i32
    %dma_wait3A_400 = tpu.memref_slice %arg3[%add3A_398, %dma_wait3A_399] : memref<8192x1024xf32, #tpu.memory_space<hbm>> -> memref<8x1024xf32, #tpu.memory_space<hbm>>
    %dma_wait3A_401 = arith.constant 0 : i32
    %dma_wait3A_402 = tpu.memref_slice %arg3[%add3A_398, %dma_wait3A_401] : memref<8192x1024xf32, #tpu.memory_space<hbm>> -> memref<8x1024xf32, #tpu.memory_space<hbm>>
    tpu.wait_dma2 semaphore(%arg38 : memref<!tpu.dma_semaphore, #tpu.memory_space<semaphore_mem>>) src(%arg14 : memref<8x1024xf32, #tpu.memory_space<vmem>>) dst(%dma_wait3A_402 : memref<8x1024xf32, #tpu.memory_space<hbm>>)
    %add3A_403 = arith.constant 176 : i32
    %add3A_404 = arith.addi %mul3A_2, %add3A_403 : i32
    %dma_start3A_405 = arith.constant 0 : i32
    %dma_start3A_406 = tpu.memref_slice %arg2[%add3A_404, %dma_start3A_405] : memref<8192x1024xf32, #tpu.memory_space<hbm>> -> memref<8x1024xf32, #tpu.memory_space<hbm>>
    %dma_start3A_407 = arith.constant 0 : i32
    %dma_start3A_408 = tpu.memref_slice %arg2[%add3A_404, %dma_start3A_407] : memref<8192x1024xf32, #tpu.memory_space<hbm>> -> memref<8x1024xf32, #tpu.memory_space<hbm>>
    tpu.enqueue_dma source(%dma_start3A_408 : memref<8x1024xf32, #tpu.memory_space<hbm>>) target(%arg14 : memref<8x1024xf32, #tpu.memory_space<vmem>>) target_semaphore(%arg26 : memref<!tpu.dma_semaphore, #tpu.memory_space<semaphore_mem>>)
    %add3A_409 = arith.constant 136 : i32
    %add3A_410 = arith.addi %mul3A_2, %add3A_409 : i32
    %dma_wait3A_411 = arith.constant 0 : i32
    %dma_wait3A_412 = tpu.memref_slice %arg2[%add3A_410, %dma_wait3A_411] : memref<8192x1024xf32, #tpu.memory_space<hbm>> -> memref<8x1024xf32, #tpu.memory_space<hbm>>
    %dma_wait3A_413 = arith.constant 0 : i32
    %dma_wait3A_414 = tpu.memref_slice %arg2[%add3A_410, %dma_wait3A_413] : memref<8192x1024xf32, #tpu.memory_space<hbm>> -> memref<8x1024xf32, #tpu.memory_space<hbm>>
    tpu.wait_dma2 semaphore(%arg21 : memref<!tpu.dma_semaphore, #tpu.memory_space<semaphore_mem>>) src(%dma_wait3A_414 : memref<8x1024xf32, #tpu.memory_space<hbm>>) dst(%arg9 : memref<8x1024xf32, #tpu.memory_space<vmem>>)
    %add3A_415 = arith.constant 136 : i32
    %add3A_416 = arith.addi %mul3A_2, %add3A_415 : i32
    %dma_start3A_417 = arith.constant 0 : i32
    %dma_start3A_418 = tpu.memref_slice %arg3[%add3A_416, %dma_start3A_417] : memref<8192x1024xf32, #tpu.memory_space<hbm>> -> memref<8x1024xf32, #tpu.memory_space<hbm>>
    %dma_start3A_419 = arith.constant 0 : i32
    %dma_start3A_420 = tpu.memref_slice %arg3[%add3A_416, %dma_start3A_419] : memref<8192x1024xf32, #tpu.memory_space<hbm>> -> memref<8x1024xf32, #tpu.memory_space<hbm>>
    tpu.enqueue_dma source(%arg9 : memref<8x1024xf32, #tpu.memory_space<vmem>>) target(%dma_start3A_420 : memref<8x1024xf32, #tpu.memory_space<hbm>>) target_semaphore(%arg33 : memref<!tpu.dma_semaphore, #tpu.memory_space<semaphore_mem>>)
    %add3A_421 = arith.constant 88 : i32
    %add3A_422 = arith.addi %mul3A_2, %add3A_421 : i32
    %dma_wait3A_423 = arith.constant 0 : i32
    %dma_wait3A_424 = tpu.memref_slice %arg3[%add3A_422, %dma_wait3A_423] : memref<8192x1024xf32, #tpu.memory_space<hbm>> -> memref<8x1024xf32, #tpu.memory_space<hbm>>
    %dma_wait3A_425 = arith.constant 0 : i32
    %dma_wait3A_426 = tpu.memref_slice %arg3[%add3A_422, %dma_wait3A_425] : memref<8192x1024xf32, #tpu.memory_space<hbm>> -> memref<8x1024xf32, #tpu.memory_space<hbm>>
    tpu.wait_dma2 semaphore(%arg39 : memref<!tpu.dma_semaphore, #tpu.memory_space<semaphore_mem>>) src(%arg15 : memref<8x1024xf32, #tpu.memory_space<vmem>>) dst(%dma_wait3A_426 : memref<8x1024xf32, #tpu.memory_space<hbm>>)
    %add3A_427 = arith.constant 184 : i32
    %add3A_428 = arith.addi %mul3A_2, %add3A_427 : i32
    %dma_start3A_429 = arith.constant 0 : i32
    %dma_start3A_430 = tpu.memref_slice %arg2[%add3A_428, %dma_start3A_429] : memref<8192x1024xf32, #tpu.memory_space<hbm>> -> memref<8x1024xf32, #tpu.memory_space<hbm>>
    %dma_start3A_431 = arith.constant 0 : i32
    %dma_start3A_432 = tpu.memref_slice %arg2[%add3A_428, %dma_start3A_431] : memref<8192x1024xf32, #tpu.memory_space<hbm>> -> memref<8x1024xf32, #tpu.memory_space<hbm>>
    tpu.enqueue_dma source(%dma_start3A_432 : memref<8x1024xf32, #tpu.memory_space<hbm>>) target(%arg15 : memref<8x1024xf32, #tpu.memory_space<vmem>>) target_semaphore(%arg27 : memref<!tpu.dma_semaphore, #tpu.memory_space<semaphore_mem>>)
    %add3A_433 = arith.constant 144 : i32
    %add3A_434 = arith.addi %mul3A_2, %add3A_433 : i32
    %dma_wait3A_435 = arith.constant 0 : i32
    %dma_wait3A_436 = tpu.memref_slice %arg2[%add3A_434, %dma_wait3A_435] : memref<8192x1024xf32, #tpu.memory_space<hbm>> -> memref<8x1024xf32, #tpu.memory_space<hbm>>
    %dma_wait3A_437 = arith.constant 0 : i32
    %dma_wait3A_438 = tpu.memref_slice %arg2[%add3A_434, %dma_wait3A_437] : memref<8192x1024xf32, #tpu.memory_space<hbm>> -> memref<8x1024xf32, #tpu.memory_space<hbm>>
    tpu.wait_dma2 semaphore(%arg22 : memref<!tpu.dma_semaphore, #tpu.memory_space<semaphore_mem>>) src(%dma_wait3A_438 : memref<8x1024xf32, #tpu.memory_space<hbm>>) dst(%arg10 : memref<8x1024xf32, #tpu.memory_space<vmem>>)
    %add3A_439 = arith.constant 144 : i32
    %add3A_440 = arith.addi %mul3A_2, %add3A_439 : i32
    %dma_start3A_441 = arith.constant 0 : i32
    %dma_start3A_442 = tpu.memref_slice %arg3[%add3A_440, %dma_start3A_441] : memref<8192x1024xf32, #tpu.memory_space<hbm>> -> memref<8x1024xf32, #tpu.memory_space<hbm>>
    %dma_start3A_443 = arith.constant 0 : i32
    %dma_start3A_444 = tpu.memref_slice %arg3[%add3A_440, %dma_start3A_443] : memref<8192x1024xf32, #tpu.memory_space<hbm>> -> memref<8x1024xf32, #tpu.memory_space<hbm>>
    tpu.enqueue_dma source(%arg10 : memref<8x1024xf32, #tpu.memory_space<vmem>>) target(%dma_start3A_444 : memref<8x1024xf32, #tpu.memory_space<hbm>>) target_semaphore(%arg34 : memref<!tpu.dma_semaphore, #tpu.memory_space<semaphore_mem>>)
    %add3A_445 = arith.constant 96 : i32
    %add3A_446 = arith.addi %mul3A_2, %add3A_445 : i32
    %dma_wait3A_447 = arith.constant 0 : i32
    %dma_wait3A_448 = tpu.memref_slice %arg3[%add3A_446, %dma_wait3A_447] : memref<8192x1024xf32, #tpu.memory_space<hbm>> -> memref<8x1024xf32, #tpu.memory_space<hbm>>
    %dma_wait3A_449 = arith.constant 0 : i32
    %dma_wait3A_450 = tpu.memref_slice %arg3[%add3A_446, %dma_wait3A_449] : memref<8192x1024xf32, #tpu.memory_space<hbm>> -> memref<8x1024xf32, #tpu.memory_space<hbm>>
    tpu.wait_dma2 semaphore(%arg28 : memref<!tpu.dma_semaphore, #tpu.memory_space<semaphore_mem>>) src(%arg4 : memref<8x1024xf32, #tpu.memory_space<vmem>>) dst(%dma_wait3A_450 : memref<8x1024xf32, #tpu.memory_space<hbm>>)
    %add3A_451 = arith.constant 192 : i32
    %add3A_452 = arith.addi %mul3A_2, %add3A_451 : i32
    %dma_start3A_453 = arith.constant 0 : i32
    %dma_start3A_454 = tpu.memref_slice %arg2[%add3A_452, %dma_start3A_453] : memref<8192x1024xf32, #tpu.memory_space<hbm>> -> memref<8x1024xf32, #tpu.memory_space<hbm>>
    %dma_start3A_455 = arith.constant 0 : i32
    %dma_start3A_456 = tpu.memref_slice %arg2[%add3A_452, %dma_start3A_455] : memref<8192x1024xf32, #tpu.memory_space<hbm>> -> memref<8x1024xf32, #tpu.memory_space<hbm>>
    tpu.enqueue_dma source(%dma_start3A_456 : memref<8x1024xf32, #tpu.memory_space<hbm>>) target(%arg4 : memref<8x1024xf32, #tpu.memory_space<vmem>>) target_semaphore(%arg16 : memref<!tpu.dma_semaphore, #tpu.memory_space<semaphore_mem>>)
    %add3A_457 = arith.constant 152 : i32
    %add3A_458 = arith.addi %mul3A_2, %add3A_457 : i32
    %dma_wait3A_459 = arith.constant 0 : i32
    %dma_wait3A_460 = tpu.memref_slice %arg2[%add3A_458, %dma_wait3A_459] : memref<8192x1024xf32, #tpu.memory_space<hbm>> -> memref<8x1024xf32, #tpu.memory_space<hbm>>
    %dma_wait3A_461 = arith.constant 0 : i32
    %dma_wait3A_462 = tpu.memref_slice %arg2[%add3A_458, %dma_wait3A_461] : memref<8192x1024xf32, #tpu.memory_space<hbm>> -> memref<8x1024xf32, #tpu.memory_space<hbm>>
    tpu.wait_dma2 semaphore(%arg23 : memref<!tpu.dma_semaphore, #tpu.memory_space<semaphore_mem>>) src(%dma_wait3A_462 : memref<8x1024xf32, #tpu.memory_space<hbm>>) dst(%arg11 : memref<8x1024xf32, #tpu.memory_space<vmem>>)
    %add3A_463 = arith.constant 152 : i32
    %add3A_464 = arith.addi %mul3A_2, %add3A_463 : i32
    %dma_start3A_465 = arith.constant 0 : i32
    %dma_start3A_466 = tpu.memref_slice %arg3[%add3A_464, %dma_start3A_465] : memref<8192x1024xf32, #tpu.memory_space<hbm>> -> memref<8x1024xf32, #tpu.memory_space<hbm>>
    %dma_start3A_467 = arith.constant 0 : i32
    %dma_start3A_468 = tpu.memref_slice %arg3[%add3A_464, %dma_start3A_467] : memref<8192x1024xf32, #tpu.memory_space<hbm>> -> memref<8x1024xf32, #tpu.memory_space<hbm>>
    tpu.enqueue_dma source(%arg11 : memref<8x1024xf32, #tpu.memory_space<vmem>>) target(%dma_start3A_468 : memref<8x1024xf32, #tpu.memory_space<hbm>>) target_semaphore(%arg35 : memref<!tpu.dma_semaphore, #tpu.memory_space<semaphore_mem>>)
    %add3A_469 = arith.constant 104 : i32
    %add3A_470 = arith.addi %mul3A_2, %add3A_469 : i32
    %dma_wait3A_471 = arith.constant 0 : i32
    %dma_wait3A_472 = tpu.memref_slice %arg3[%add3A_470, %dma_wait3A_471] : memref<8192x1024xf32, #tpu.memory_space<hbm>> -> memref<8x1024xf32, #tpu.memory_space<hbm>>
    %dma_wait3A_473 = arith.constant 0 : i32
    %dma_wait3A_474 = tpu.memref_slice %arg3[%add3A_470, %dma_wait3A_473] : memref<8192x1024xf32, #tpu.memory_space<hbm>> -> memref<8x1024xf32, #tpu.memory_space<hbm>>
    tpu.wait_dma2 semaphore(%arg29 : memref<!tpu.dma_semaphore, #tpu.memory_space<semaphore_mem>>) src(%arg5 : memref<8x1024xf32, #tpu.memory_space<vmem>>) dst(%dma_wait3A_474 : memref<8x1024xf32, #tpu.memory_space<hbm>>)
    %add3A_475 = arith.constant 200 : i32
    %add3A_476 = arith.addi %mul3A_2, %add3A_475 : i32
    %dma_start3A_477 = arith.constant 0 : i32
    %dma_start3A_478 = tpu.memref_slice %arg2[%add3A_476, %dma_start3A_477] : memref<8192x1024xf32, #tpu.memory_space<hbm>> -> memref<8x1024xf32, #tpu.memory_space<hbm>>
    %dma_start3A_479 = arith.constant 0 : i32
    %dma_start3A_480 = tpu.memref_slice %arg2[%add3A_476, %dma_start3A_479] : memref<8192x1024xf32, #tpu.memory_space<hbm>> -> memref<8x1024xf32, #tpu.memory_space<hbm>>
    tpu.enqueue_dma source(%dma_start3A_480 : memref<8x1024xf32, #tpu.memory_space<hbm>>) target(%arg5 : memref<8x1024xf32, #tpu.memory_space<vmem>>) target_semaphore(%arg17 : memref<!tpu.dma_semaphore, #tpu.memory_space<semaphore_mem>>)
    %add3A_481 = arith.constant 160 : i32
    %add3A_482 = arith.addi %mul3A_2, %add3A_481 : i32
    %dma_wait3A_483 = arith.constant 0 : i32
    %dma_wait3A_484 = tpu.memref_slice %arg2[%add3A_482, %dma_wait3A_483] : memref<8192x1024xf32, #tpu.memory_space<hbm>> -> memref<8x1024xf32, #tpu.memory_space<hbm>>
    %dma_wait3A_485 = arith.constant 0 : i32
    %dma_wait3A_486 = tpu.memref_slice %arg2[%add3A_482, %dma_wait3A_485] : memref<8192x1024xf32, #tpu.memory_space<hbm>> -> memref<8x1024xf32, #tpu.memory_space<hbm>>
    tpu.wait_dma2 semaphore(%arg24 : memref<!tpu.dma_semaphore, #tpu.memory_space<semaphore_mem>>) src(%dma_wait3A_486 : memref<8x1024xf32, #tpu.memory_space<hbm>>) dst(%arg12 : memref<8x1024xf32, #tpu.memory_space<vmem>>)
    %add3A_487 = arith.constant 160 : i32
    %add3A_488 = arith.addi %mul3A_2, %add3A_487 : i32
    %dma_start3A_489 = arith.constant 0 : i32
    %dma_start3A_490 = tpu.memref_slice %arg3[%add3A_488, %dma_start3A_489] : memref<8192x1024xf32, #tpu.memory_space<hbm>> -> memref<8x1024xf32, #tpu.memory_space<hbm>>
    %dma_start3A_491 = arith.constant 0 : i32
    %dma_start3A_492 = tpu.memref_slice %arg3[%add3A_488, %dma_start3A_491] : memref<8192x1024xf32, #tpu.memory_space<hbm>> -> memref<8x1024xf32, #tpu.memory_space<hbm>>
    tpu.enqueue_dma source(%arg12 : memref<8x1024xf32, #tpu.memory_space<vmem>>) target(%dma_start3A_492 : memref<8x1024xf32, #tpu.memory_space<hbm>>) target_semaphore(%arg36 : memref<!tpu.dma_semaphore, #tpu.memory_space<semaphore_mem>>)
    %add3A_493 = arith.constant 112 : i32
    %add3A_494 = arith.addi %mul3A_2, %add3A_493 : i32
    %dma_wait3A_495 = arith.constant 0 : i32
    %dma_wait3A_496 = tpu.memref_slice %arg3[%add3A_494, %dma_wait3A_495] : memref<8192x1024xf32, #tpu.memory_space<hbm>> -> memref<8x1024xf32, #tpu.memory_space<hbm>>
    %dma_wait3A_497 = arith.constant 0 : i32
    %dma_wait3A_498 = tpu.memref_slice %arg3[%add3A_494, %dma_wait3A_497] : memref<8192x1024xf32, #tpu.memory_space<hbm>> -> memref<8x1024xf32, #tpu.memory_space<hbm>>
    tpu.wait_dma2 semaphore(%arg30 : memref<!tpu.dma_semaphore, #tpu.memory_space<semaphore_mem>>) src(%arg6 : memref<8x1024xf32, #tpu.memory_space<vmem>>) dst(%dma_wait3A_498 : memref<8x1024xf32, #tpu.memory_space<hbm>>)
    %add3A_499 = arith.constant 208 : i32
    %add3A_500 = arith.addi %mul3A_2, %add3A_499 : i32
    %dma_start3A_501 = arith.constant 0 : i32
    %dma_start3A_502 = tpu.memref_slice %arg2[%add3A_500, %dma_start3A_501] : memref<8192x1024xf32, #tpu.memory_space<hbm>> -> memref<8x1024xf32, #tpu.memory_space<hbm>>
    %dma_start3A_503 = arith.constant 0 : i32
    %dma_start3A_504 = tpu.memref_slice %arg2[%add3A_500, %dma_start3A_503] : memref<8192x1024xf32, #tpu.memory_space<hbm>> -> memref<8x1024xf32, #tpu.memory_space<hbm>>
    tpu.enqueue_dma source(%dma_start3A_504 : memref<8x1024xf32, #tpu.memory_space<hbm>>) target(%arg6 : memref<8x1024xf32, #tpu.memory_space<vmem>>) target_semaphore(%arg18 : memref<!tpu.dma_semaphore, #tpu.memory_space<semaphore_mem>>)
    %add3A_505 = arith.constant 168 : i32
    %add3A_506 = arith.addi %mul3A_2, %add3A_505 : i32
    %dma_wait3A_507 = arith.constant 0 : i32
    %dma_wait3A_508 = tpu.memref_slice %arg2[%add3A_506, %dma_wait3A_507] : memref<8192x1024xf32, #tpu.memory_space<hbm>> -> memref<8x1024xf32, #tpu.memory_space<hbm>>
    %dma_wait3A_509 = arith.constant 0 : i32
    %dma_wait3A_510 = tpu.memref_slice %arg2[%add3A_506, %dma_wait3A_509] : memref<8192x1024xf32, #tpu.memory_space<hbm>> -> memref<8x1024xf32, #tpu.memory_space<hbm>>
    tpu.wait_dma2 semaphore(%arg25 : memref<!tpu.dma_semaphore, #tpu.memory_space<semaphore_mem>>) src(%dma_wait3A_510 : memref<8x1024xf32, #tpu.memory_space<hbm>>) dst(%arg13 : memref<8x1024xf32, #tpu.memory_space<vmem>>)
    %add3A_511 = arith.constant 168 : i32
    %add3A_512 = arith.addi %mul3A_2, %add3A_511 : i32
    %dma_start3A_513 = arith.constant 0 : i32
    %dma_start3A_514 = tpu.memref_slice %arg3[%add3A_512, %dma_start3A_513] : memref<8192x1024xf32, #tpu.memory_space<hbm>> -> memref<8x1024xf32, #tpu.memory_space<hbm>>
    %dma_start3A_515 = arith.constant 0 : i32
    %dma_start3A_516 = tpu.memref_slice %arg3[%add3A_512, %dma_start3A_515] : memref<8192x1024xf32, #tpu.memory_space<hbm>> -> memref<8x1024xf32, #tpu.memory_space<hbm>>
    tpu.enqueue_dma source(%arg13 : memref<8x1024xf32, #tpu.memory_space<vmem>>) target(%dma_start3A_516 : memref<8x1024xf32, #tpu.memory_space<hbm>>) target_semaphore(%arg37 : memref<!tpu.dma_semaphore, #tpu.memory_space<semaphore_mem>>)
    %add3A_517 = arith.constant 120 : i32
    %add3A_518 = arith.addi %mul3A_2, %add3A_517 : i32
    %dma_wait3A_519 = arith.constant 0 : i32
    %dma_wait3A_520 = tpu.memref_slice %arg3[%add3A_518, %dma_wait3A_519] : memref<8192x1024xf32, #tpu.memory_space<hbm>> -> memref<8x1024xf32, #tpu.memory_space<hbm>>
    %dma_wait3A_521 = arith.constant 0 : i32
    %dma_wait3A_522 = tpu.memref_slice %arg3[%add3A_518, %dma_wait3A_521] : memref<8192x1024xf32, #tpu.memory_space<hbm>> -> memref<8x1024xf32, #tpu.memory_space<hbm>>
    tpu.wait_dma2 semaphore(%arg31 : memref<!tpu.dma_semaphore, #tpu.memory_space<semaphore_mem>>) src(%arg7 : memref<8x1024xf32, #tpu.memory_space<vmem>>) dst(%dma_wait3A_522 : memref<8x1024xf32, #tpu.memory_space<hbm>>)
    %add3A_523 = arith.constant 216 : i32
    %add3A_524 = arith.addi %mul3A_2, %add3A_523 : i32
    %dma_start3A_525 = arith.constant 0 : i32
    %dma_start3A_526 = tpu.memref_slice %arg2[%add3A_524, %dma_start3A_525] : memref<8192x1024xf32, #tpu.memory_space<hbm>> -> memref<8x1024xf32, #tpu.memory_space<hbm>>
    %dma_start3A_527 = arith.constant 0 : i32
    %dma_start3A_528 = tpu.memref_slice %arg2[%add3A_524, %dma_start3A_527] : memref<8192x1024xf32, #tpu.memory_space<hbm>> -> memref<8x1024xf32, #tpu.memory_space<hbm>>
    tpu.enqueue_dma source(%dma_start3A_528 : memref<8x1024xf32, #tpu.memory_space<hbm>>) target(%arg7 : memref<8x1024xf32, #tpu.memory_space<vmem>>) target_semaphore(%arg19 : memref<!tpu.dma_semaphore, #tpu.memory_space<semaphore_mem>>)
    %add3A_529 = arith.constant 176 : i32
    %add3A_530 = arith.addi %mul3A_2, %add3A_529 : i32
    %dma_wait3A_531 = arith.constant 0 : i32
    %dma_wait3A_532 = tpu.memref_slice %arg2[%add3A_530, %dma_wait3A_531] : memref<8192x1024xf32, #tpu.memory_space<hbm>> -> memref<8x1024xf32, #tpu.memory_space<hbm>>
    %dma_wait3A_533 = arith.constant 0 : i32
    %dma_wait3A_534 = tpu.memref_slice %arg2[%add3A_530, %dma_wait3A_533] : memref<8192x1024xf32, #tpu.memory_space<hbm>> -> memref<8x1024xf32, #tpu.memory_space<hbm>>
    tpu.wait_dma2 semaphore(%arg26 : memref<!tpu.dma_semaphore, #tpu.memory_space<semaphore_mem>>) src(%dma_wait3A_534 : memref<8x1024xf32, #tpu.memory_space<hbm>>) dst(%arg14 : memref<8x1024xf32, #tpu.memory_space<vmem>>)
    %add3A_535 = arith.constant 176 : i32
    %add3A_536 = arith.addi %mul3A_2, %add3A_535 : i32
    %dma_start3A_537 = arith.constant 0 : i32
    %dma_start3A_538 = tpu.memref_slice %arg3[%add3A_536, %dma_start3A_537] : memref<8192x1024xf32, #tpu.memory_space<hbm>> -> memref<8x1024xf32, #tpu.memory_space<hbm>>
    %dma_start3A_539 = arith.constant 0 : i32
    %dma_start3A_540 = tpu.memref_slice %arg3[%add3A_536, %dma_start3A_539] : memref<8192x1024xf32, #tpu.memory_space<hbm>> -> memref<8x1024xf32, #tpu.memory_space<hbm>>
    tpu.enqueue_dma source(%arg14 : memref<8x1024xf32, #tpu.memory_space<vmem>>) target(%dma_start3A_540 : memref<8x1024xf32, #tpu.memory_space<hbm>>) target_semaphore(%arg38 : memref<!tpu.dma_semaphore, #tpu.memory_space<semaphore_mem>>)
    %add3A_541 = arith.constant 128 : i32
    %add3A_542 = arith.addi %mul3A_2, %add3A_541 : i32
    %dma_wait3A_543 = arith.constant 0 : i32
    %dma_wait3A_544 = tpu.memref_slice %arg3[%add3A_542, %dma_wait3A_543] : memref<8192x1024xf32, #tpu.memory_space<hbm>> -> memref<8x1024xf32, #tpu.memory_space<hbm>>
    %dma_wait3A_545 = arith.constant 0 : i32
    %dma_wait3A_546 = tpu.memref_slice %arg3[%add3A_542, %dma_wait3A_545] : memref<8192x1024xf32, #tpu.memory_space<hbm>> -> memref<8x1024xf32, #tpu.memory_space<hbm>>
    tpu.wait_dma2 semaphore(%arg32 : memref<!tpu.dma_semaphore, #tpu.memory_space<semaphore_mem>>) src(%arg8 : memref<8x1024xf32, #tpu.memory_space<vmem>>) dst(%dma_wait3A_546 : memref<8x1024xf32, #tpu.memory_space<hbm>>)
    %add3A_547 = arith.constant 224 : i32
    %add3A_548 = arith.addi %mul3A_2, %add3A_547 : i32
    %dma_start3A_549 = arith.constant 0 : i32
    %dma_start3A_550 = tpu.memref_slice %arg2[%add3A_548, %dma_start3A_549] : memref<8192x1024xf32, #tpu.memory_space<hbm>> -> memref<8x1024xf32, #tpu.memory_space<hbm>>
    %dma_start3A_551 = arith.constant 0 : i32
    %dma_start3A_552 = tpu.memref_slice %arg2[%add3A_548, %dma_start3A_551] : memref<8192x1024xf32, #tpu.memory_space<hbm>> -> memref<8x1024xf32, #tpu.memory_space<hbm>>
    tpu.enqueue_dma source(%dma_start3A_552 : memref<8x1024xf32, #tpu.memory_space<hbm>>) target(%arg8 : memref<8x1024xf32, #tpu.memory_space<vmem>>) target_semaphore(%arg20 : memref<!tpu.dma_semaphore, #tpu.memory_space<semaphore_mem>>)
    %add3A_553 = arith.constant 184 : i32
    %add3A_554 = arith.addi %mul3A_2, %add3A_553 : i32
    %dma_wait3A_555 = arith.constant 0 : i32
    %dma_wait3A_556 = tpu.memref_slice %arg2[%add3A_554, %dma_wait3A_555] : memref<8192x1024xf32, #tpu.memory_space<hbm>> -> memref<8x1024xf32, #tpu.memory_space<hbm>>
    %dma_wait3A_557 = arith.constant 0 : i32
    %dma_wait3A_558 = tpu.memref_slice %arg2[%add3A_554, %dma_wait3A_557] : memref<8192x1024xf32, #tpu.memory_space<hbm>> -> memref<8x1024xf32, #tpu.memory_space<hbm>>
    tpu.wait_dma2 semaphore(%arg27 : memref<!tpu.dma_semaphore, #tpu.memory_space<semaphore_mem>>) src(%dma_wait3A_558 : memref<8x1024xf32, #tpu.memory_space<hbm>>) dst(%arg15 : memref<8x1024xf32, #tpu.memory_space<vmem>>)
    %add3A_559 = arith.constant 184 : i32
    %add3A_560 = arith.addi %mul3A_2, %add3A_559 : i32
    %dma_start3A_561 = arith.constant 0 : i32
    %dma_start3A_562 = tpu.memref_slice %arg3[%add3A_560, %dma_start3A_561] : memref<8192x1024xf32, #tpu.memory_space<hbm>> -> memref<8x1024xf32, #tpu.memory_space<hbm>>
    %dma_start3A_563 = arith.constant 0 : i32
    %dma_start3A_564 = tpu.memref_slice %arg3[%add3A_560, %dma_start3A_563] : memref<8192x1024xf32, #tpu.memory_space<hbm>> -> memref<8x1024xf32, #tpu.memory_space<hbm>>
    tpu.enqueue_dma source(%arg15 : memref<8x1024xf32, #tpu.memory_space<vmem>>) target(%dma_start3A_564 : memref<8x1024xf32, #tpu.memory_space<hbm>>) target_semaphore(%arg39 : memref<!tpu.dma_semaphore, #tpu.memory_space<semaphore_mem>>)
    %add3A_565 = arith.constant 136 : i32
    %add3A_566 = arith.addi %mul3A_2, %add3A_565 : i32
    %dma_wait3A_567 = arith.constant 0 : i32
    %dma_wait3A_568 = tpu.memref_slice %arg3[%add3A_566, %dma_wait3A_567] : memref<8192x1024xf32, #tpu.memory_space<hbm>> -> memref<8x1024xf32, #tpu.memory_space<hbm>>
    %dma_wait3A_569 = arith.constant 0 : i32
    %dma_wait3A_570 = tpu.memref_slice %arg3[%add3A_566, %dma_wait3A_569] : memref<8192x1024xf32, #tpu.memory_space<hbm>> -> memref<8x1024xf32, #tpu.memory_space<hbm>>
    tpu.wait_dma2 semaphore(%arg33 : memref<!tpu.dma_semaphore, #tpu.memory_space<semaphore_mem>>) src(%arg9 : memref<8x1024xf32, #tpu.memory_space<vmem>>) dst(%dma_wait3A_570 : memref<8x1024xf32, #tpu.memory_space<hbm>>)
    %add3A_571 = arith.constant 232 : i32
    %add3A_572 = arith.addi %mul3A_2, %add3A_571 : i32
    %dma_start3A_573 = arith.constant 0 : i32
    %dma_start3A_574 = tpu.memref_slice %arg2[%add3A_572, %dma_start3A_573] : memref<8192x1024xf32, #tpu.memory_space<hbm>> -> memref<8x1024xf32, #tpu.memory_space<hbm>>
    %dma_start3A_575 = arith.constant 0 : i32
    %dma_start3A_576 = tpu.memref_slice %arg2[%add3A_572, %dma_start3A_575] : memref<8192x1024xf32, #tpu.memory_space<hbm>> -> memref<8x1024xf32, #tpu.memory_space<hbm>>
    tpu.enqueue_dma source(%dma_start3A_576 : memref<8x1024xf32, #tpu.memory_space<hbm>>) target(%arg9 : memref<8x1024xf32, #tpu.memory_space<vmem>>) target_semaphore(%arg21 : memref<!tpu.dma_semaphore, #tpu.memory_space<semaphore_mem>>)
    %add3A_577 = arith.constant 192 : i32
    %add3A_578 = arith.addi %mul3A_2, %add3A_577 : i32
    %dma_wait3A_579 = arith.constant 0 : i32
    %dma_wait3A_580 = tpu.memref_slice %arg2[%add3A_578, %dma_wait3A_579] : memref<8192x1024xf32, #tpu.memory_space<hbm>> -> memref<8x1024xf32, #tpu.memory_space<hbm>>
    %dma_wait3A_581 = arith.constant 0 : i32
    %dma_wait3A_582 = tpu.memref_slice %arg2[%add3A_578, %dma_wait3A_581] : memref<8192x1024xf32, #tpu.memory_space<hbm>> -> memref<8x1024xf32, #tpu.memory_space<hbm>>
    tpu.wait_dma2 semaphore(%arg16 : memref<!tpu.dma_semaphore, #tpu.memory_space<semaphore_mem>>) src(%dma_wait3A_582 : memref<8x1024xf32, #tpu.memory_space<hbm>>) dst(%arg4 : memref<8x1024xf32, #tpu.memory_space<vmem>>)
    %add3A_583 = arith.constant 192 : i32
    %add3A_584 = arith.addi %mul3A_2, %add3A_583 : i32
    %dma_start3A_585 = arith.constant 0 : i32
    %dma_start3A_586 = tpu.memref_slice %arg3[%add3A_584, %dma_start3A_585] : memref<8192x1024xf32, #tpu.memory_space<hbm>> -> memref<8x1024xf32, #tpu.memory_space<hbm>>
    %dma_start3A_587 = arith.constant 0 : i32
    %dma_start3A_588 = tpu.memref_slice %arg3[%add3A_584, %dma_start3A_587] : memref<8192x1024xf32, #tpu.memory_space<hbm>> -> memref<8x1024xf32, #tpu.memory_space<hbm>>
    tpu.enqueue_dma source(%arg4 : memref<8x1024xf32, #tpu.memory_space<vmem>>) target(%dma_start3A_588 : memref<8x1024xf32, #tpu.memory_space<hbm>>) target_semaphore(%arg28 : memref<!tpu.dma_semaphore, #tpu.memory_space<semaphore_mem>>)
    %add3A_589 = arith.constant 144 : i32
    %add3A_590 = arith.addi %mul3A_2, %add3A_589 : i32
    %dma_wait3A_591 = arith.constant 0 : i32
    %dma_wait3A_592 = tpu.memref_slice %arg3[%add3A_590, %dma_wait3A_591] : memref<8192x1024xf32, #tpu.memory_space<hbm>> -> memref<8x1024xf32, #tpu.memory_space<hbm>>
    %dma_wait3A_593 = arith.constant 0 : i32
    %dma_wait3A_594 = tpu.memref_slice %arg3[%add3A_590, %dma_wait3A_593] : memref<8192x1024xf32, #tpu.memory_space<hbm>> -> memref<8x1024xf32, #tpu.memory_space<hbm>>
    tpu.wait_dma2 semaphore(%arg34 : memref<!tpu.dma_semaphore, #tpu.memory_space<semaphore_mem>>) src(%arg10 : memref<8x1024xf32, #tpu.memory_space<vmem>>) dst(%dma_wait3A_594 : memref<8x1024xf32, #tpu.memory_space<hbm>>)
    %add3A_595 = arith.constant 240 : i32
    %add3A_596 = arith.addi %mul3A_2, %add3A_595 : i32
    %dma_start3A_597 = arith.constant 0 : i32
    %dma_start3A_598 = tpu.memref_slice %arg2[%add3A_596, %dma_start3A_597] : memref<8192x1024xf32, #tpu.memory_space<hbm>> -> memref<8x1024xf32, #tpu.memory_space<hbm>>
    %dma_start3A_599 = arith.constant 0 : i32
    %dma_start3A_600 = tpu.memref_slice %arg2[%add3A_596, %dma_start3A_599] : memref<8192x1024xf32, #tpu.memory_space<hbm>> -> memref<8x1024xf32, #tpu.memory_space<hbm>>
    tpu.enqueue_dma source(%dma_start3A_600 : memref<8x1024xf32, #tpu.memory_space<hbm>>) target(%arg10 : memref<8x1024xf32, #tpu.memory_space<vmem>>) target_semaphore(%arg22 : memref<!tpu.dma_semaphore, #tpu.memory_space<semaphore_mem>>)
    %add3A_601 = arith.constant 200 : i32
    %add3A_602 = arith.addi %mul3A_2, %add3A_601 : i32
    %dma_wait3A_603 = arith.constant 0 : i32
    %dma_wait3A_604 = tpu.memref_slice %arg2[%add3A_602, %dma_wait3A_603] : memref<8192x1024xf32, #tpu.memory_space<hbm>> -> memref<8x1024xf32, #tpu.memory_space<hbm>>
    %dma_wait3A_605 = arith.constant 0 : i32
    %dma_wait3A_606 = tpu.memref_slice %arg2[%add3A_602, %dma_wait3A_605] : memref<8192x1024xf32, #tpu.memory_space<hbm>> -> memref<8x1024xf32, #tpu.memory_space<hbm>>
    tpu.wait_dma2 semaphore(%arg17 : memref<!tpu.dma_semaphore, #tpu.memory_space<semaphore_mem>>) src(%dma_wait3A_606 : memref<8x1024xf32, #tpu.memory_space<hbm>>) dst(%arg5 : memref<8x1024xf32, #tpu.memory_space<vmem>>)
    %add3A_607 = arith.constant 200 : i32
    %add3A_608 = arith.addi %mul3A_2, %add3A_607 : i32
    %dma_start3A_609 = arith.constant 0 : i32
    %dma_start3A_610 = tpu.memref_slice %arg3[%add3A_608, %dma_start3A_609] : memref<8192x1024xf32, #tpu.memory_space<hbm>> -> memref<8x1024xf32, #tpu.memory_space<hbm>>
    %dma_start3A_611 = arith.constant 0 : i32
    %dma_start3A_612 = tpu.memref_slice %arg3[%add3A_608, %dma_start3A_611] : memref<8192x1024xf32, #tpu.memory_space<hbm>> -> memref<8x1024xf32, #tpu.memory_space<hbm>>
    tpu.enqueue_dma source(%arg5 : memref<8x1024xf32, #tpu.memory_space<vmem>>) target(%dma_start3A_612 : memref<8x1024xf32, #tpu.memory_space<hbm>>) target_semaphore(%arg29 : memref<!tpu.dma_semaphore, #tpu.memory_space<semaphore_mem>>)
    %add3A_613 = arith.constant 152 : i32
    %add3A_614 = arith.addi %mul3A_2, %add3A_613 : i32
    %dma_wait3A_615 = arith.constant 0 : i32
    %dma_wait3A_616 = tpu.memref_slice %arg3[%add3A_614, %dma_wait3A_615] : memref<8192x1024xf32, #tpu.memory_space<hbm>> -> memref<8x1024xf32, #tpu.memory_space<hbm>>
    %dma_wait3A_617 = arith.constant 0 : i32
    %dma_wait3A_618 = tpu.memref_slice %arg3[%add3A_614, %dma_wait3A_617] : memref<8192x1024xf32, #tpu.memory_space<hbm>> -> memref<8x1024xf32, #tpu.memory_space<hbm>>
    tpu.wait_dma2 semaphore(%arg35 : memref<!tpu.dma_semaphore, #tpu.memory_space<semaphore_mem>>) src(%arg11 : memref<8x1024xf32, #tpu.memory_space<vmem>>) dst(%dma_wait3A_618 : memref<8x1024xf32, #tpu.memory_space<hbm>>)
    %add3A_619 = arith.constant 248 : i32
    %add3A_620 = arith.addi %mul3A_2, %add3A_619 : i32
    %dma_start3A_621 = arith.constant 0 : i32
    %dma_start3A_622 = tpu.memref_slice %arg2[%add3A_620, %dma_start3A_621] : memref<8192x1024xf32, #tpu.memory_space<hbm>> -> memref<8x1024xf32, #tpu.memory_space<hbm>>
    %dma_start3A_623 = arith.constant 0 : i32
    %dma_start3A_624 = tpu.memref_slice %arg2[%add3A_620, %dma_start3A_623] : memref<8192x1024xf32, #tpu.memory_space<hbm>> -> memref<8x1024xf32, #tpu.memory_space<hbm>>
    tpu.enqueue_dma source(%dma_start3A_624 : memref<8x1024xf32, #tpu.memory_space<hbm>>) target(%arg11 : memref<8x1024xf32, #tpu.memory_space<vmem>>) target_semaphore(%arg23 : memref<!tpu.dma_semaphore, #tpu.memory_space<semaphore_mem>>)
    %add3A_625 = arith.constant 208 : i32
    %add3A_626 = arith.addi %mul3A_2, %add3A_625 : i32
    %dma_wait3A_627 = arith.constant 0 : i32
    %dma_wait3A_628 = tpu.memref_slice %arg2[%add3A_626, %dma_wait3A_627] : memref<8192x1024xf32, #tpu.memory_space<hbm>> -> memref<8x1024xf32, #tpu.memory_space<hbm>>
    %dma_wait3A_629 = arith.constant 0 : i32
    %dma_wait3A_630 = tpu.memref_slice %arg2[%add3A_626, %dma_wait3A_629] : memref<8192x1024xf32, #tpu.memory_space<hbm>> -> memref<8x1024xf32, #tpu.memory_space<hbm>>
    tpu.wait_dma2 semaphore(%arg18 : memref<!tpu.dma_semaphore, #tpu.memory_space<semaphore_mem>>) src(%dma_wait3A_630 : memref<8x1024xf32, #tpu.memory_space<hbm>>) dst(%arg6 : memref<8x1024xf32, #tpu.memory_space<vmem>>)
    %add3A_631 = arith.constant 208 : i32
    %add3A_632 = arith.addi %mul3A_2, %add3A_631 : i32
    %dma_start3A_633 = arith.constant 0 : i32
    %dma_start3A_634 = tpu.memref_slice %arg3[%add3A_632, %dma_start3A_633] : memref<8192x1024xf32, #tpu.memory_space<hbm>> -> memref<8x1024xf32, #tpu.memory_space<hbm>>
    %dma_start3A_635 = arith.constant 0 : i32
    %dma_start3A_636 = tpu.memref_slice %arg3[%add3A_632, %dma_start3A_635] : memref<8192x1024xf32, #tpu.memory_space<hbm>> -> memref<8x1024xf32, #tpu.memory_space<hbm>>
    tpu.enqueue_dma source(%arg6 : memref<8x1024xf32, #tpu.memory_space<vmem>>) target(%dma_start3A_636 : memref<8x1024xf32, #tpu.memory_space<hbm>>) target_semaphore(%arg30 : memref<!tpu.dma_semaphore, #tpu.memory_space<semaphore_mem>>)
    %add3A_637 = arith.constant 160 : i32
    %add3A_638 = arith.addi %mul3A_2, %add3A_637 : i32
    %dma_wait3A_639 = arith.constant 0 : i32
    %dma_wait3A_640 = tpu.memref_slice %arg3[%add3A_638, %dma_wait3A_639] : memref<8192x1024xf32, #tpu.memory_space<hbm>> -> memref<8x1024xf32, #tpu.memory_space<hbm>>
    %dma_wait3A_641 = arith.constant 0 : i32
    %dma_wait3A_642 = tpu.memref_slice %arg3[%add3A_638, %dma_wait3A_641] : memref<8192x1024xf32, #tpu.memory_space<hbm>> -> memref<8x1024xf32, #tpu.memory_space<hbm>>
    tpu.wait_dma2 semaphore(%arg36 : memref<!tpu.dma_semaphore, #tpu.memory_space<semaphore_mem>>) src(%arg12 : memref<8x1024xf32, #tpu.memory_space<vmem>>) dst(%dma_wait3A_642 : memref<8x1024xf32, #tpu.memory_space<hbm>>)
    %add3A_643 = arith.constant 216 : i32
    %add3A_644 = arith.addi %mul3A_2, %add3A_643 : i32
    %dma_wait3A_645 = arith.constant 0 : i32
    %dma_wait3A_646 = tpu.memref_slice %arg2[%add3A_644, %dma_wait3A_645] : memref<8192x1024xf32, #tpu.memory_space<hbm>> -> memref<8x1024xf32, #tpu.memory_space<hbm>>
    %dma_wait3A_647 = arith.constant 0 : i32
    %dma_wait3A_648 = tpu.memref_slice %arg2[%add3A_644, %dma_wait3A_647] : memref<8192x1024xf32, #tpu.memory_space<hbm>> -> memref<8x1024xf32, #tpu.memory_space<hbm>>
    tpu.wait_dma2 semaphore(%arg19 : memref<!tpu.dma_semaphore, #tpu.memory_space<semaphore_mem>>) src(%dma_wait3A_648 : memref<8x1024xf32, #tpu.memory_space<hbm>>) dst(%arg7 : memref<8x1024xf32, #tpu.memory_space<vmem>>)
    %add3A_649 = arith.constant 216 : i32
    %add3A_650 = arith.addi %mul3A_2, %add3A_649 : i32
    %dma_start3A_651 = arith.constant 0 : i32
    %dma_start3A_652 = tpu.memref_slice %arg3[%add3A_650, %dma_start3A_651] : memref<8192x1024xf32, #tpu.memory_space<hbm>> -> memref<8x1024xf32, #tpu.memory_space<hbm>>
    %dma_start3A_653 = arith.constant 0 : i32
    %dma_start3A_654 = tpu.memref_slice %arg3[%add3A_650, %dma_start3A_653] : memref<8192x1024xf32, #tpu.memory_space<hbm>> -> memref<8x1024xf32, #tpu.memory_space<hbm>>
    tpu.enqueue_dma source(%arg7 : memref<8x1024xf32, #tpu.memory_space<vmem>>) target(%dma_start3A_654 : memref<8x1024xf32, #tpu.memory_space<hbm>>) target_semaphore(%arg31 : memref<!tpu.dma_semaphore, #tpu.memory_space<semaphore_mem>>)
    %add3A_655 = arith.constant 168 : i32
    %add3A_656 = arith.addi %mul3A_2, %add3A_655 : i32
    %dma_wait3A_657 = arith.constant 0 : i32
    %dma_wait3A_658 = tpu.memref_slice %arg3[%add3A_656, %dma_wait3A_657] : memref<8192x1024xf32, #tpu.memory_space<hbm>> -> memref<8x1024xf32, #tpu.memory_space<hbm>>
    %dma_wait3A_659 = arith.constant 0 : i32
    %dma_wait3A_660 = tpu.memref_slice %arg3[%add3A_656, %dma_wait3A_659] : memref<8192x1024xf32, #tpu.memory_space<hbm>> -> memref<8x1024xf32, #tpu.memory_space<hbm>>
    tpu.wait_dma2 semaphore(%arg37 : memref<!tpu.dma_semaphore, #tpu.memory_space<semaphore_mem>>) src(%arg13 : memref<8x1024xf32, #tpu.memory_space<vmem>>) dst(%dma_wait3A_660 : memref<8x1024xf32, #tpu.memory_space<hbm>>)
    %add3A_661 = arith.constant 224 : i32
    %add3A_662 = arith.addi %mul3A_2, %add3A_661 : i32
    %dma_wait3A_663 = arith.constant 0 : i32
    %dma_wait3A_664 = tpu.memref_slice %arg2[%add3A_662, %dma_wait3A_663] : memref<8192x1024xf32, #tpu.memory_space<hbm>> -> memref<8x1024xf32, #tpu.memory_space<hbm>>
    %dma_wait3A_665 = arith.constant 0 : i32
    %dma_wait3A_666 = tpu.memref_slice %arg2[%add3A_662, %dma_wait3A_665] : memref<8192x1024xf32, #tpu.memory_space<hbm>> -> memref<8x1024xf32, #tpu.memory_space<hbm>>
    tpu.wait_dma2 semaphore(%arg20 : memref<!tpu.dma_semaphore, #tpu.memory_space<semaphore_mem>>) src(%dma_wait3A_666 : memref<8x1024xf32, #tpu.memory_space<hbm>>) dst(%arg8 : memref<8x1024xf32, #tpu.memory_space<vmem>>)
    %add3A_667 = arith.constant 224 : i32
    %add3A_668 = arith.addi %mul3A_2, %add3A_667 : i32
    %dma_start3A_669 = arith.constant 0 : i32
    %dma_start3A_670 = tpu.memref_slice %arg3[%add3A_668, %dma_start3A_669] : memref<8192x1024xf32, #tpu.memory_space<hbm>> -> memref<8x1024xf32, #tpu.memory_space<hbm>>
    %dma_start3A_671 = arith.constant 0 : i32
    %dma_start3A_672 = tpu.memref_slice %arg3[%add3A_668, %dma_start3A_671] : memref<8192x1024xf32, #tpu.memory_space<hbm>> -> memref<8x1024xf32, #tpu.memory_space<hbm>>
    tpu.enqueue_dma source(%arg8 : memref<8x1024xf32, #tpu.memory_space<vmem>>) target(%dma_start3A_672 : memref<8x1024xf32, #tpu.memory_space<hbm>>) target_semaphore(%arg32 : memref<!tpu.dma_semaphore, #tpu.memory_space<semaphore_mem>>)
    %add3A_673 = arith.constant 176 : i32
    %add3A_674 = arith.addi %mul3A_2, %add3A_673 : i32
    %dma_wait3A_675 = arith.constant 0 : i32
    %dma_wait3A_676 = tpu.memref_slice %arg3[%add3A_674, %dma_wait3A_675] : memref<8192x1024xf32, #tpu.memory_space<hbm>> -> memref<8x1024xf32, #tpu.memory_space<hbm>>
    %dma_wait3A_677 = arith.constant 0 : i32
    %dma_wait3A_678 = tpu.memref_slice %arg3[%add3A_674, %dma_wait3A_677] : memref<8192x1024xf32, #tpu.memory_space<hbm>> -> memref<8x1024xf32, #tpu.memory_space<hbm>>
    tpu.wait_dma2 semaphore(%arg38 : memref<!tpu.dma_semaphore, #tpu.memory_space<semaphore_mem>>) src(%arg14 : memref<8x1024xf32, #tpu.memory_space<vmem>>) dst(%dma_wait3A_678 : memref<8x1024xf32, #tpu.memory_space<hbm>>)
    %add3A_679 = arith.constant 232 : i32
    %add3A_680 = arith.addi %mul3A_2, %add3A_679 : i32
    %dma_wait3A_681 = arith.constant 0 : i32
    %dma_wait3A_682 = tpu.memref_slice %arg2[%add3A_680, %dma_wait3A_681] : memref<8192x1024xf32, #tpu.memory_space<hbm>> -> memref<8x1024xf32, #tpu.memory_space<hbm>>
    %dma_wait3A_683 = arith.constant 0 : i32
    %dma_wait3A_684 = tpu.memref_slice %arg2[%add3A_680, %dma_wait3A_683] : memref<8192x1024xf32, #tpu.memory_space<hbm>> -> memref<8x1024xf32, #tpu.memory_space<hbm>>
    tpu.wait_dma2 semaphore(%arg21 : memref<!tpu.dma_semaphore, #tpu.memory_space<semaphore_mem>>) src(%dma_wait3A_684 : memref<8x1024xf32, #tpu.memory_space<hbm>>) dst(%arg9 : memref<8x1024xf32, #tpu.memory_space<vmem>>)
    %add3A_685 = arith.constant 232 : i32
    %add3A_686 = arith.addi %mul3A_2, %add3A_685 : i32
    %dma_start3A_687 = arith.constant 0 : i32
    %dma_start3A_688 = tpu.memref_slice %arg3[%add3A_686, %dma_start3A_687] : memref<8192x1024xf32, #tpu.memory_space<hbm>> -> memref<8x1024xf32, #tpu.memory_space<hbm>>
    %dma_start3A_689 = arith.constant 0 : i32
    %dma_start3A_690 = tpu.memref_slice %arg3[%add3A_686, %dma_start3A_689] : memref<8192x1024xf32, #tpu.memory_space<hbm>> -> memref<8x1024xf32, #tpu.memory_space<hbm>>
    tpu.enqueue_dma source(%arg9 : memref<8x1024xf32, #tpu.memory_space<vmem>>) target(%dma_start3A_690 : memref<8x1024xf32, #tpu.memory_space<hbm>>) target_semaphore(%arg33 : memref<!tpu.dma_semaphore, #tpu.memory_space<semaphore_mem>>)
    %add3A_691 = arith.constant 184 : i32
    %add3A_692 = arith.addi %mul3A_2, %add3A_691 : i32
    %dma_wait3A_693 = arith.constant 0 : i32
    %dma_wait3A_694 = tpu.memref_slice %arg3[%add3A_692, %dma_wait3A_693] : memref<8192x1024xf32, #tpu.memory_space<hbm>> -> memref<8x1024xf32, #tpu.memory_space<hbm>>
    %dma_wait3A_695 = arith.constant 0 : i32
    %dma_wait3A_696 = tpu.memref_slice %arg3[%add3A_692, %dma_wait3A_695] : memref<8192x1024xf32, #tpu.memory_space<hbm>> -> memref<8x1024xf32, #tpu.memory_space<hbm>>
    tpu.wait_dma2 semaphore(%arg39 : memref<!tpu.dma_semaphore, #tpu.memory_space<semaphore_mem>>) src(%arg15 : memref<8x1024xf32, #tpu.memory_space<vmem>>) dst(%dma_wait3A_696 : memref<8x1024xf32, #tpu.memory_space<hbm>>)
    %add3A_697 = arith.constant 240 : i32
    %add3A_698 = arith.addi %mul3A_2, %add3A_697 : i32
    %dma_wait3A_699 = arith.constant 0 : i32
    %dma_wait3A_700 = tpu.memref_slice %arg2[%add3A_698, %dma_wait3A_699] : memref<8192x1024xf32, #tpu.memory_space<hbm>> -> memref<8x1024xf32, #tpu.memory_space<hbm>>
    %dma_wait3A_701 = arith.constant 0 : i32
    %dma_wait3A_702 = tpu.memref_slice %arg2[%add3A_698, %dma_wait3A_701] : memref<8192x1024xf32, #tpu.memory_space<hbm>> -> memref<8x1024xf32, #tpu.memory_space<hbm>>
    tpu.wait_dma2 semaphore(%arg22 : memref<!tpu.dma_semaphore, #tpu.memory_space<semaphore_mem>>) src(%dma_wait3A_702 : memref<8x1024xf32, #tpu.memory_space<hbm>>) dst(%arg10 : memref<8x1024xf32, #tpu.memory_space<vmem>>)
    %add3A_703 = arith.constant 240 : i32
    %add3A_704 = arith.addi %mul3A_2, %add3A_703 : i32
    %dma_start3A_705 = arith.constant 0 : i32
    %dma_start3A_706 = tpu.memref_slice %arg3[%add3A_704, %dma_start3A_705] : memref<8192x1024xf32, #tpu.memory_space<hbm>> -> memref<8x1024xf32, #tpu.memory_space<hbm>>
    %dma_start3A_707 = arith.constant 0 : i32
    %dma_start3A_708 = tpu.memref_slice %arg3[%add3A_704, %dma_start3A_707] : memref<8192x1024xf32, #tpu.memory_space<hbm>> -> memref<8x1024xf32, #tpu.memory_space<hbm>>
    tpu.enqueue_dma source(%arg10 : memref<8x1024xf32, #tpu.memory_space<vmem>>) target(%dma_start3A_708 : memref<8x1024xf32, #tpu.memory_space<hbm>>) target_semaphore(%arg34 : memref<!tpu.dma_semaphore, #tpu.memory_space<semaphore_mem>>)
    %add3A_709 = arith.constant 192 : i32
    %add3A_710 = arith.addi %mul3A_2, %add3A_709 : i32
    %dma_wait3A_711 = arith.constant 0 : i32
    %dma_wait3A_712 = tpu.memref_slice %arg3[%add3A_710, %dma_wait3A_711] : memref<8192x1024xf32, #tpu.memory_space<hbm>> -> memref<8x1024xf32, #tpu.memory_space<hbm>>
    %dma_wait3A_713 = arith.constant 0 : i32
    %dma_wait3A_714 = tpu.memref_slice %arg3[%add3A_710, %dma_wait3A_713] : memref<8192x1024xf32, #tpu.memory_space<hbm>> -> memref<8x1024xf32, #tpu.memory_space<hbm>>
    tpu.wait_dma2 semaphore(%arg28 : memref<!tpu.dma_semaphore, #tpu.memory_space<semaphore_mem>>) src(%arg4 : memref<8x1024xf32, #tpu.memory_space<vmem>>) dst(%dma_wait3A_714 : memref<8x1024xf32, #tpu.memory_space<hbm>>)
    %add3A_715 = arith.constant 248 : i32
    %add3A_716 = arith.addi %mul3A_2, %add3A_715 : i32
    %dma_wait3A_717 = arith.constant 0 : i32
    %dma_wait3A_718 = tpu.memref_slice %arg2[%add3A_716, %dma_wait3A_717] : memref<8192x1024xf32, #tpu.memory_space<hbm>> -> memref<8x1024xf32, #tpu.memory_space<hbm>>
    %dma_wait3A_719 = arith.constant 0 : i32
    %dma_wait3A_720 = tpu.memref_slice %arg2[%add3A_716, %dma_wait3A_719] : memref<8192x1024xf32, #tpu.memory_space<hbm>> -> memref<8x1024xf32, #tpu.memory_space<hbm>>
    tpu.wait_dma2 semaphore(%arg23 : memref<!tpu.dma_semaphore, #tpu.memory_space<semaphore_mem>>) src(%dma_wait3A_720 : memref<8x1024xf32, #tpu.memory_space<hbm>>) dst(%arg11 : memref<8x1024xf32, #tpu.memory_space<vmem>>)
    %add3A_721 = arith.constant 248 : i32
    %add3A_722 = arith.addi %mul3A_2, %add3A_721 : i32
    %dma_start3A_723 = arith.constant 0 : i32
    %dma_start3A_724 = tpu.memref_slice %arg3[%add3A_722, %dma_start3A_723] : memref<8192x1024xf32, #tpu.memory_space<hbm>> -> memref<8x1024xf32, #tpu.memory_space<hbm>>
    %dma_start3A_725 = arith.constant 0 : i32
    %dma_start3A_726 = tpu.memref_slice %arg3[%add3A_722, %dma_start3A_725] : memref<8192x1024xf32, #tpu.memory_space<hbm>> -> memref<8x1024xf32, #tpu.memory_space<hbm>>
    tpu.enqueue_dma source(%arg11 : memref<8x1024xf32, #tpu.memory_space<vmem>>) target(%dma_start3A_726 : memref<8x1024xf32, #tpu.memory_space<hbm>>) target_semaphore(%arg35 : memref<!tpu.dma_semaphore, #tpu.memory_space<semaphore_mem>>)
    %add3A_727 = arith.constant 200 : i32
    %add3A_728 = arith.addi %mul3A_2, %add3A_727 : i32
    %dma_wait3A_729 = arith.constant 0 : i32
    %dma_wait3A_730 = tpu.memref_slice %arg3[%add3A_728, %dma_wait3A_729] : memref<8192x1024xf32, #tpu.memory_space<hbm>> -> memref<8x1024xf32, #tpu.memory_space<hbm>>
    %dma_wait3A_731 = arith.constant 0 : i32
    %dma_wait3A_732 = tpu.memref_slice %arg3[%add3A_728, %dma_wait3A_731] : memref<8192x1024xf32, #tpu.memory_space<hbm>> -> memref<8x1024xf32, #tpu.memory_space<hbm>>
    tpu.wait_dma2 semaphore(%arg29 : memref<!tpu.dma_semaphore, #tpu.memory_space<semaphore_mem>>) src(%arg5 : memref<8x1024xf32, #tpu.memory_space<vmem>>) dst(%dma_wait3A_732 : memref<8x1024xf32, #tpu.memory_space<hbm>>)
    %add3A_733 = arith.constant 208 : i32
    %add3A_734 = arith.addi %mul3A_2, %add3A_733 : i32
    %dma_wait3A_735 = arith.constant 0 : i32
    %dma_wait3A_736 = tpu.memref_slice %arg3[%add3A_734, %dma_wait3A_735] : memref<8192x1024xf32, #tpu.memory_space<hbm>> -> memref<8x1024xf32, #tpu.memory_space<hbm>>
    %dma_wait3A_737 = arith.constant 0 : i32
    %dma_wait3A_738 = tpu.memref_slice %arg3[%add3A_734, %dma_wait3A_737] : memref<8192x1024xf32, #tpu.memory_space<hbm>> -> memref<8x1024xf32, #tpu.memory_space<hbm>>
    tpu.wait_dma2 semaphore(%arg30 : memref<!tpu.dma_semaphore, #tpu.memory_space<semaphore_mem>>) src(%arg6 : memref<8x1024xf32, #tpu.memory_space<vmem>>) dst(%dma_wait3A_738 : memref<8x1024xf32, #tpu.memory_space<hbm>>)
    %add3A_739 = arith.constant 216 : i32
    %add3A_740 = arith.addi %mul3A_2, %add3A_739 : i32
    %dma_wait3A_741 = arith.constant 0 : i32
    %dma_wait3A_742 = tpu.memref_slice %arg3[%add3A_740, %dma_wait3A_741] : memref<8192x1024xf32, #tpu.memory_space<hbm>> -> memref<8x1024xf32, #tpu.memory_space<hbm>>
    %dma_wait3A_743 = arith.constant 0 : i32
    %dma_wait3A_744 = tpu.memref_slice %arg3[%add3A_740, %dma_wait3A_743] : memref<8192x1024xf32, #tpu.memory_space<hbm>> -> memref<8x1024xf32, #tpu.memory_space<hbm>>
    tpu.wait_dma2 semaphore(%arg31 : memref<!tpu.dma_semaphore, #tpu.memory_space<semaphore_mem>>) src(%arg7 : memref<8x1024xf32, #tpu.memory_space<vmem>>) dst(%dma_wait3A_744 : memref<8x1024xf32, #tpu.memory_space<hbm>>)
    %add3A_745 = arith.constant 224 : i32
    %add3A_746 = arith.addi %mul3A_2, %add3A_745 : i32
    %dma_wait3A_747 = arith.constant 0 : i32
    %dma_wait3A_748 = tpu.memref_slice %arg3[%add3A_746, %dma_wait3A_747] : memref<8192x1024xf32, #tpu.memory_space<hbm>> -> memref<8x1024xf32, #tpu.memory_space<hbm>>
    %dma_wait3A_749 = arith.constant 0 : i32
    %dma_wait3A_750 = tpu.memref_slice %arg3[%add3A_746, %dma_wait3A_749] : memref<8192x1024xf32, #tpu.memory_space<hbm>> -> memref<8x1024xf32, #tpu.memory_space<hbm>>
    tpu.wait_dma2 semaphore(%arg32 : memref<!tpu.dma_semaphore, #tpu.memory_space<semaphore_mem>>) src(%arg8 : memref<8x1024xf32, #tpu.memory_space<vmem>>) dst(%dma_wait3A_750 : memref<8x1024xf32, #tpu.memory_space<hbm>>)
    %add3A_751 = arith.constant 232 : i32
    %add3A_752 = arith.addi %mul3A_2, %add3A_751 : i32
    %dma_wait3A_753 = arith.constant 0 : i32
    %dma_wait3A_754 = tpu.memref_slice %arg3[%add3A_752, %dma_wait3A_753] : memref<8192x1024xf32, #tpu.memory_space<hbm>> -> memref<8x1024xf32, #tpu.memory_space<hbm>>
    %dma_wait3A_755 = arith.constant 0 : i32
    %dma_wait3A_756 = tpu.memref_slice %arg3[%add3A_752, %dma_wait3A_755] : memref<8192x1024xf32, #tpu.memory_space<hbm>> -> memref<8x1024xf32, #tpu.memory_space<hbm>>
    tpu.wait_dma2 semaphore(%arg33 : memref<!tpu.dma_semaphore, #tpu.memory_space<semaphore_mem>>) src(%arg9 : memref<8x1024xf32, #tpu.memory_space<vmem>>) dst(%dma_wait3A_756 : memref<8x1024xf32, #tpu.memory_space<hbm>>)
    %add3A_757 = arith.constant 240 : i32
    %add3A_758 = arith.addi %mul3A_2, %add3A_757 : i32
    %dma_wait3A_759 = arith.constant 0 : i32
    %dma_wait3A_760 = tpu.memref_slice %arg3[%add3A_758, %dma_wait3A_759] : memref<8192x1024xf32, #tpu.memory_space<hbm>> -> memref<8x1024xf32, #tpu.memory_space<hbm>>
    %dma_wait3A_761 = arith.constant 0 : i32
    %dma_wait3A_762 = tpu.memref_slice %arg3[%add3A_758, %dma_wait3A_761] : memref<8192x1024xf32, #tpu.memory_space<hbm>> -> memref<8x1024xf32, #tpu.memory_space<hbm>>
    tpu.wait_dma2 semaphore(%arg34 : memref<!tpu.dma_semaphore, #tpu.memory_space<semaphore_mem>>) src(%arg10 : memref<8x1024xf32, #tpu.memory_space<vmem>>) dst(%dma_wait3A_762 : memref<8x1024xf32, #tpu.memory_space<hbm>>)
    %add3A_763 = arith.constant 248 : i32
    %add3A_764 = arith.addi %mul3A_2, %add3A_763 : i32
    %dma_wait3A_765 = arith.constant 0 : i32
    %dma_wait3A_766 = tpu.memref_slice %arg3[%add3A_764, %dma_wait3A_765] : memref<8192x1024xf32, #tpu.memory_space<hbm>> -> memref<8x1024xf32, #tpu.memory_space<hbm>>
    %dma_wait3A_767 = arith.constant 0 : i32
    %dma_wait3A_768 = tpu.memref_slice %arg3[%add3A_764, %dma_wait3A_767] : memref<8192x1024xf32, #tpu.memory_space<hbm>> -> memref<8x1024xf32, #tpu.memory_space<hbm>>
    tpu.wait_dma2 semaphore(%arg35 : memref<!tpu.dma_semaphore, #tpu.memory_space<semaphore_mem>>) src(%arg11 : memref<8x1024xf32, #tpu.memory_space<vmem>>) dst(%dma_wait3A_768 : memref<8x1024xf32, #tpu.memory_space<hbm>>)
    return
  }
}

</mosaic_0001>

<sc_bundles>
// kernel: kernel.3.cloned.1.call-start
scs
__scs_entry_jumppad:
0x0: {  	(pc) =	sbr.rel $0x88, $3  }
0x1: {  	(tag) =	ssettag $0x0;
	lr =	simm.s32 $0x1  }
0x2: {  	[smem:$0x3FA0] =	sst lr;
	_ =	strace $0xD0000000  }
0x3: {  	_ = 	snop  }
0x4: {  	_ = 	snop  }
0x5: {  	_ = 	snop  }
0x6: {  	_ = 	snop  }
0x7: {  	_ = 	snop  }
__scs_overlays_trampoline_lowered:
0x8: {  	[smem:$0x3FAF] =	sst s0  }
0x9: {  	[smem:$0x3FB0] =	sst s1  }
0xa: {  	[smem:$0x3FB1] =	sst s2  }
0xb: {  	[smem:$0x3FB2] =	sst s3  }
0xc: {  	[smem:$0x3FB3] =	sst s4  }
0xd: {  	[smem:$0x3FB4] =	sst s5  }
0xe: {  	[smem:$0x3FB5] =	sst s6  }
0xf: {  	[smem:$0x3FB6] =	sst s7  }
0x10: {  	[smem:$0x3FB7] =	sst s8  }
0x11: {  	[smem:$0x3FB8] =	sst s9;
	s0 =	simm.s32 @!p0 $0x0  }
0x12: {  	s1 =	sld [smem:$0x3F9E];
	s0 =	simm.s32 @p0 $0x1  }
0x13: {  	[smem:$0x3FB9] =	sst s0;
	s0 =	simm.s32 @!p1 $0x0  }
0x14: {  	s2 =	sld [smem:$0x3F9D];
	s0 =	simm.s32 @p1 $0x1  }
0x15: {  	[smem:$0x3FBA] =	sst s0;
	s0 =	simm.s32 @!p2 $0x0  }
0x16: {  	s3 =	sld [smem:$0x3FDB];
	s0 =	simm.s32 @p2 $0x1  }
0x17: {  	s4 =	simm.s32 $0x1BF5;
	[smem:$0x3FBC] =	sst s0  }
0x18: {  	s0 =	sld [smem:$0x3F9F];
	_ =	swait.ge [sflag:s4], $0x0  }
0x19: {  	s7 =	sld [smem:$0x3FA0]  }
0x1a: {  	s8 =	sadd.s32 $0xFFFFE003, lr  }
0x1b: {  	s9 =	sadd.s32 $0xFFFFFEF7, lr;
	s5 =	simm.s32 $0xFFFFFFFF;
	p2 =	slt.u32 s8, $0xFFFFF086  }
0x1c: {  	p1 =	slt.u32 s9, $0xF7A;
	s5 =	simm.s32 @!p2 $0x0  }
0x1d: {  	s5 =	simm.s32 @p1 $0x1;
	p0 =	seq.s32 s7, s2  }
0x1e: {  	s7 =	smul.u32 @!p0 $0xF7A, s2;
	p2 =	seq.s32 @!p0 s5, $0x0  }
0x1f: {  	s9 =	smul.u32 $0xF7A, s1;
	s8 =	simm.s32 @!p0 $0x1BF5;
	p2 =	por !p2, p0  }
0x20: {  	[sflag:s8] =	ssyncset.s32 @!p0 $0xFFFFF086;
	s6 =	sadd.s32 @!p0 s3, s7;
	s7 =	simm.s32 @!p0 $0x108  }
0x21: {  	s3 =	sadd.s32 s3, s9;
	s6 =	sadd.s32 @!p0 $0x88, s6;
	s7 =	simm.s32 @p2 $0x1082  }
0x22: {  	[simem:s7], [sflag:s8] =	dma.local @!p0 [hbm:s6], $0xF7A  }
0x23: {  	s9 =	sor.u32 $0xD0000000, s2;
	s6 =	simm.s32 $0x108;
	_ =	swait.ge @!p0 [sflag:s8], $0x0  }
0x24: {  	s3 =	sadd.s32 $0x88, s3;
	s6 =	simm.s32 @!p1 $0x1082;
	[sflag:s4] =	ssyncset.s32 $0xFFFFF086  }
0x25: {  	[simem:s6], [sflag:s4] =	dma.local [hbm:s3], $0xF7A  }
0x26: {  	[smem:$0x3FA0] =	sst s1;
	(tag) =	ssettag s2;
	_ =	strace s9  }
0x27: {  	s1 =	sld [smem:$0x3FB0]  }
0x28: {  	s2 =	sld [smem:$0x3FB1]  }
0x29: {  	s4 =	sld [smem:$0x3FB3]  }
0x2a: {  	p0 =	seq.s32 s5, $0x0;
	s5 =	sld [smem:$0x3FB4]  }
0x2b: {  	s6 =	sld [smem:$0x3FB5]  }
0x2c: {  	s7 =	sld [smem:$0x3FB6]  }
0x2d: {  	s3 =	simm.s32 $0x108;
	s8 =	sld [smem:$0x3FB7]  }
0x2e: {  	s3 =	simm.s32 @!p0 $0x1082;
	s9 =	sld [smem:$0x3FB8]  }
0x2f: {  	lr =	sadd.s32 s0, s3;
	s0 =	sld [smem:$0x3FAF]  }
0x30: {  	s3 =	sld [smem:$0x3FB2]  }
0x31: {  	[smem:$0x3FBB] =	sst s10  }
0x32: {  	s10 =	sld [smem:$0x3FB9];
	_ =	sdelay $0x3  }
0x33: {  	p0 =	seq.s32 s10, $0x1;
	s10 =	sld [smem:$0x3FBB];
	_ =	sdelay $0x3  }
0x34: {  	[smem:$0x3FBB] =	sst s10  }
0x35: {  	s10 =	sld [smem:$0x3FBA];
	_ =	sdelay $0x3  }
0x36: {  	p1 =	seq.s32 s10, $0x1;
	s10 =	sld [smem:$0x3FBB];
	_ =	sdelay $0x3  }
0x37: {  	[smem:$0x3FBB] =	sst s10  }
0x38: {  	s10 =	sld [smem:$0x3FBC]  }
0x39: {  	_ = 	snop;
	(pc) =	sbr.ind lr, $3  }
0x3a: {  	_ = 	snop  }
0x3b: {  	_ = 	snop  }
0x3c: {  	p2 =	seq.s32 s10, $0x1;
	s10 =	sld [smem:$0x3FBB]  }
0x3d: {  	_ =	shalt  }
0x3e: {  	_ =	shalt  }
0x3f: {  	_ =	shalt  }
0x40: {  	_ =	shalt  }
0x41: {  	_ =	shalt  }
0x42: {  	_ =	shalt  }
0x43: {  	_ =	shalt  }
0x44: {  	_ =	shalt  }
0x45: {  	_ =	shalt  }
0x46: {  	_ =	shalt  }
0x47: {  	_ =	shalt  }
0x48: {  	_ =	shalt  }
0x49: {  	_ =	shalt  }
0x4a: {  	_ =	shalt  }
0x4b: {  	_ =	shalt  }
0x4c: {  	_ =	shalt  }
0x4d: {  	_ =	shalt  }
0x4e: {  	_ =	shalt  }
0x4f: {  	_ =	shalt  }
0x50: {  	_ =	shalt  }
0x51: {  	_ =	shalt  }
0x52: {  	_ =	shalt  }
0x53: {  	_ =	shalt  }
0x54: {  	_ =	shalt  }
0x55: {  	_ =	shalt  }
0x56: {  	_ =	shalt  }
0x57: {  	_ =	shalt  }
0x58: {  	_ =	shalt  }
0x59: {  	_ =	shalt  }
0x5a: {  	_ =	shalt  }
0x5b: {  	_ =	shalt  }
0x5c: {  	_ =	shalt  }
0x5d: {  	_ =	shalt  }
0x5e: {  	_ =	shalt  }
0x5f: {  	_ =	shalt  }
0x60: {  	_ =	shalt  }
0x61: {  	_ =	shalt  }
0x62: {  	_ =	shalt  }
0x63: {  	_ =	shalt  }
0x64: {  	_ =	shalt  }
0x65: {  	_ =	shalt  }
0x66: {  	_ =	shalt  }
0x67: {  	_ =	shalt  }
0x68: {  	_ =	shalt  }
0x69: {  	_ =	shalt  }
0x6a: {  	_ =	shalt  }
0x6b: {  	_ =	shalt  }
0x6c: {  	_ =	shalt  }
0x6d: {  	_ =	shalt  }
0x6e: {  	_ =	shalt  }
0x6f: {  	_ =	shalt  }
0x70: {  	_ =	shalt  }
0x71: {  	_ =	shalt  }
0x72: {  	_ =	shalt  }
0x73: {  	_ =	shalt  }
0x74: {  	_ =	shalt  }
0x75: {  	_ =	shalt  }
0x76: {  	_ =	shalt  }
0x77: {  	_ =	shalt  }
0x78: {  	_ =	shalt  }
0x79: {  	_ =	shalt  }
0x7a: {  	_ =	shalt  }
0x7b: {  	_ =	shalt  }
0x7c: {  	_ =	shalt  }
0x7d: {  	_ =	shalt  }
0x7e: {  	_ =	shalt  }
0x7f: {  	_ =	shalt  }
0x80: {  	_ =	shalt  }
0x81: {  	_ =	shalt  }
0x82: {  	_ =	shalt  }
0x83: {  	_ =	shalt  }
0x84: {  	_ =	shalt  }
0x85: {  	_ =	shalt  }
0x86: {  	_ =	shalt  }
0x87: {  	_ =	shalt  }
.Lfunc_end0:
.L_simem_size_0:
called_computation_lowered:
.L_overlay_start_0:
0x88: {  	s2 =	sld [smem:$0x3FD9]  }
0x89: {  	s3 =	sld [smem:$0x3FFE];
	_ =	sdelay $0x1  }
0x8a: {  	s1 =	srdreg.scid  }
0x8b: {  	s0 =	sand.u32 $0x1, s1  }
0x8c: {  	s18 =	sshll.u32 s0, $0xA;
	s2 =	sadd.s32 s3, s2  }
0x8d: {  	s2 =	sadd.s32 s2, s18  }
0x8e: {  	[smem:$0x3FC7] =	sst s2  }
0x8f: {  	_ = 	snop  }
0x90: {  	s2 =	sld [smem:$0x3FC9]  }
0x91: {  	s19 =	sld [smem:$0x3FD0];
	(tm) =	ssettm $0x1  }
0x92: {  	s4 =	sld [smem:$0x3FFB];
	_ =	sdelay $0x3  }
0x93: {  	_ =	strace s4  }
0x94: {  	s4 =	sld [smem:$0x3FFC];
	_ =	sdelay $0x3  }
0x95: {  	_ =	strace s4  }
0x96: {  	s4 =	sld [smem:$0x3FFD];
	_ =	sdelay $0x3  }
0x97: {  	_ =	strace s4  }
0x98: {  	_ =	strace $0x8FFFFFFF  }
0x99: {  	s20 =	sld [smem:$0x3FDB];
	_ =	sdelay $0x1  }
0x9a: {  	s5 =	simm.s32 $_scs_section_size  }
0x9b: {  	s6 =	simm.s32 $_size__tile_overlayer_lowered;
	s7 =	simm.s32 $_tile_overlayer_lowered  }
0x9c: {  	s23 =	simm.s32 $0x1BFF;
	s22 =	sshll.u32 s7, $0x1;
	s4 =	sadd.s32 s5, s20  }
0x9d: {  	s8 =	simm.s32 $0x0;
	s21 =	sshll.u32 s6, $0x1;
	s6 =	sadd.s32 s22, s4  }
0x9e: {  	[timem:s8], [sflag:s23] =	dma.local [hbm:s6], s21  }
0x9f: {  	_ =	swait.ge [sflag:s23], s21  }
0xa0: {  	s5 =	ssub.s32 $0x0, s21;
	[sflag:s23] =	ssyncset.done $0x0  }
0xa1: {  	[sflag:s23] =	ssyncadd.s32 s5;
	_ =	sdelay $0x1  }
0xa2: {  	s24 =	simm.s32 $0x1B8B  }
0xa3: {  	_ =	swait.ge [sflag:s24], $0x1  }
0xa4: {  	[sflag:s24] =	ssyncset.done $0x0  }
0xa5: {  	s25 =	simm.s32 $0x1B8E;
	[sflag:s24] =	ssyncadd.s32 $0xFFFFFFFF  }
0xa6: {  	s26 =	simm.s32 $execute0_lowered;
	[smem:$0x3FD2] =	sst s25  }
0xa7: {  	s5 =	sshll.u32 s26, $0x1;
	_ =	strace $0x80000046;
	[dreg:$0x1] =	wrdreg $0xFFFFFFFF  }
0xa8: {  	s28 =	simm.s32 $_size_execute0_lowered;
	s4 =	sadd.s32 s4, s5;
	[dreg:$0x0] =	wrdreg $0x0  }
0xa9: {  	s5 =	sshll.u32 s28, $0x1;
	[dreg:$0x2] =	wrdreg s4  }
0xaa: {  	[dreg:$0x3] =	wrdreg s5  }
0xab: {  	[dreg:$0x4] =	wrdreg $0xC0  }
0xac: {  	_ =	task [dreg:s8], $0x5FFFF  }
0xad: {  	[dreg:$0x1] =	wrdreg $0xFFFFFFFF  }
0xae: {  	[dreg:$0x0] =	wrdreg $0x60  }
0xaf: {  	[dreg:$0x2] =	wrdreg s2  }
0xb0: {  	[dreg:$0x3] =	wrdreg s19  }
0xb1: {  	[dreg:$0x4] =	wrdreg $0x9  }
0xb2: {  	_ =	task.clear_ibuf [dreg:s8], $0x5FFFF;
	_ =	strace $0x90000046  }
0xb3: {  	s29 =	simm.s32 $0x9;
	_ =	strace $0x80000048  }
0xb4: {  	_ =	swait.ge [sflag:s29], $0x1  }
0xb5: {  	[sflag:s29] =	ssyncadd.s32 $0xFFFFFFFF  }
0xb6: {  	_ =	strace $0x90000048  }
0xb7: {  	_ =	sfence  }
0xb8: {  	s30 =	sld [smem:$0x0];
	_ =	sdelay $0x2  }
0xb9: {  	s31 =	sshll.u32 s1, $0xD;
	s1 =	sshrl.u32 s1, $0x2  }
0xba: {  	s3 =	sand.u32 $0x4000, s31;
	s1 =	sadd.s32 s1, s30  }
0xbb: {  	s0 =	sor.u32 s3, s0;
	s1 =	sshll.u32 s1, $0x11  }
0xbc: {  	s0 =	sor.u32 s1, s0  }
0xbd: {  	s0 =	sadd.s32 $0x8F2B, s0  }
0xbe: {  	[sflag:s0] =	ssyncadd.remote.s32 $0x1  }
0xbf: {  	_ =	sfence.sel $0xFFFF  }
0xc0: {  	[dreg:$0x0] =	wrdreg $0xFFFFFFFF;
	(pc) =	sbr.abs _section_cstart, $3  }
0xc1: {  	[dreg:$0x1] =	wrdreg $0xFFFFFFFF  }
0xc2: {  	_ =	task.clear_ibuf [dreg:s8], $0x2FFFF;
	_ =	strace $0x9FFFFFFF  }
0xc3: {  	(tm) =	ssettm $0x7FFFFFFF  }
tec
execute0_lowered:
.L_overlay_start_1:
0x0: {  	(tag) =	ssettag $0x1  }
0x1: {  	s1 =	srdreg.scid  }
0x2: {  	s3 =	rddreg [dreg:$0x0];
	s4 =	stileid.u32;
	s1 =	sand.u32 $0x1, s1  }
0x3: {  	s2 =	simm.s32 $0x0;
	s4 =	sshll.u32 s4, $0x10;
	s5 =	sshll.u32 s1, $0xF  }
0x4: {  	[smem:$0x7FF] =	sst s2;
	s4 =	sor.u32 s5, s4  }
0x5: {  	s0 =	rddreg [dreg:$0x1];
	_ =	strace $0x80000047;
	s5 =	sadd.s32 s3, s4  }
0x6: {  	s6 =	sor.u32 $0x400, s4;
	s14 =	sadd.s32 s0, s4;
	[dreg:$0x3] =	wrdreg s5  }
0x7: {  	s7 =	sor.u32 $0x800, s4;
	s9 =	sadd.s32 s3, s6;
	[dreg:$0x9] =	wrdreg s14  }
0x8: {  	s8 =	sor.u32 $0xC00, s4;
	s10 =	sadd.s32 s3, s7;
	[dreg:$0x4] =	wrdreg s9  }
0x9: {  	s11 =	sadd.s32 s3, s8;
	[dreg:$0x5] =	wrdreg s10  }
0xa: {  	s17 =	sor.u32 $0x1C00, s4;
	s16 =	sadd.s32 s0, s6;
	[dreg:$0x6] =	wrdreg s11  }
0xb: {  	s18 =	sadd.s32 s3, s17;
	[dreg:$0xb] =	wrdreg s16  }
0xc: {  	s20 =	sor.u32 $0x2000, s4;
	s19 =	sadd.s32 s0, s7;
	[dreg:$0xc] =	wrdreg s18  }
0xd: {  	s21 =	sadd.s32 s3, s20;
	[dreg:$0xd] =	wrdreg s19  }
0xe: {  	s23 =	sor.u32 $0x2400, s4;
	s22 =	sadd.s32 s0, s8;
	[dreg:$0xe] =	wrdreg s21  }
0xf: {  	s26 =	sor.u32 $0x2800, s4;
	s24 =	sadd.s32 s3, s23;
	[dreg:$0xf] =	wrdreg s22  }
0x10: {  	s31 =	sadd.s32 s3, s26;
	[dreg:$0x10] =	wrdreg s24  }
0x11: {  	s17 =	sadd.s32 s0, s17;
	[dreg:$0x12] =	wrdreg s31  }
0x12: {  	s20 =	sadd.s32 s0, s20;
	[dreg:$0x17] =	wrdreg s17  }
0x13: {  	s23 =	sadd.s32 s0, s23;
	[dreg:$0x19] =	wrdreg s20  }
0x14: {  	s26 =	sadd.s32 s0, s26;
	s9 =	sor.u32 $0x1000, s4;
	[dreg:$0x1b] =	wrdreg s23  }
0x15: {  	s10 =	sor.u32 $0x1400, s4;
	[dreg:$0x1d] =	wrdreg s26;
	s12 =	sadd.s32 s3, s9  }
0x16: {  	s11 =	sor.u32 $0x1800, s4;
	s13 =	sadd.s32 s3, s10;
	[dreg:$0x7] =	wrdreg s12  }
0x17: {  	s15 =	sadd.s32 s3, s11;
	[dreg:$0x8] =	wrdreg s13  }
0x18: {  	s25 =	sadd.s32 s0, s9;
	[dreg:$0xa] =	wrdreg s15  }
0x19: {  	s10 =	sadd.s32 s0, s10;
	[dreg:$0x11] =	wrdreg s25  }
0x1a: {  	s18 =	sor.u32 $0x3400, s4;
	s14 =	sadd.s32 s0, s11;
	[dreg:$0x13] =	wrdreg s10  }
0x1b: {  	s21 =	sor.u32 $0x3800, s4;
	s19 =	sadd.s32 s3, s18;
	[dreg:$0x15] =	wrdreg s14  }
0x1c: {  	s22 =	sadd.s32 s3, s21;
	[dreg:$0x18] =	wrdreg s19  }
0x1d: {  	s18 =	sadd.s32 s0, s18;
	[dreg:$0x1a] =	wrdreg s22  }
0x1e: {  	s24 =	sor.u32 $0x3C00, s4;
	s21 =	sadd.s32 s0, s21;
	[smem:$0x7DE] =	sst s18  }
0x1f: {  	s9 =	sor.u32 $0x4000, s4;
	s25 =	sadd.s32 s3, s24;
	[smem:$0x7E0] =	sst s21  }
0x20: {  	s29 =	simm.s32 $0x1;
	s31 =	sadd.s32 s3, s9;
	[dreg:$0x1c] =	wrdreg s25  }
0x21: {  	s12 =	sor.u32 $0x2C00, s4;
	s24 =	sadd.s32 s0, s24;
	[dreg:$0x1e] =	wrdreg s31  }
0x22: {  	s15 =	sor.u32 $0x3000, s4;
	s13 =	sadd.s32 s3, s12;
	[smem:$0x7E2] =	sst s24  }
0x23: {  	s30 =	simm.s32 $0x9;
	s16 =	sadd.s32 s3, s15;
	[dreg:$0x14] =	wrdreg s13  }
0x24: {  	p0 =	por $0x0, $0x0;
	s12 =	sadd.s32 s0, s12;
	[dreg:$0x16] =	wrdreg s16  }
0x25: {  	s19 =	sor.u32 $0x4C00, s4;
	s15 =	sadd.s32 s0, s15;
	[dreg:$0x1f] =	wrdreg s12  }
0x26: {  	s22 =	sor.u32 $0x5000, s4;
	s20 =	sadd.s32 s3, s19;
	[smem:$0x7DC] =	sst s15  }
0x27: {  	s28 =	simm.s32 $0xA;
	s23 =	sadd.s32 s3, s22;
	[smem:$0x7DF] =	sst s20  }
0x28: {  	s1 =	ssub.s32 $0x2, s1;
	s31 =	sadd.s32 s0, s9;
	[smem:$0x7E1] =	sst s23  }
0x29: {  	s8 =	simm.s32 $0xE;
	s19 =	sadd.s32 s0, s19;
	[smem:$0x7E4] =	sst s31  }
0x2a: {  	s25 =	sor.u32 $0x5400, s4;
	s22 =	sadd.s32 s0, s22;
	[smem:$0x7EA] =	sst s19  }
0x2b: {  	s9 =	sor.u32 $0x5800, s4;
	s26 =	sadd.s32 s3, s25;
	[smem:$0x7EC] =	sst s22  }
0x2c: {  	s7 =	simm.s32 $0x12;
	s12 =	sadd.s32 s3, s9;
	[smem:$0x7E3] =	sst s26  }
0x2d: {  	s6 =	simm.s32 $0x13;
	s25 =	sadd.s32 s0, s25;
	[smem:$0x7E5] =	sst s12  }
0x2e: {  	s13 =	sor.u32 $0x4400, s4;
	s9 =	sadd.s32 s0, s9;
	[smem:$0x7EE] =	sst s25  }
0x2f: {  	s16 =	sor.u32 $0x4800, s4;
	s14 =	sadd.s32 s3, s13;
	[smem:$0x7F0] =	sst s9  }
0x30: {  	s11 =	simm.s32 $0xF;
	s17 =	sadd.s32 s3, s16;
	[smem:$0x7DB] =	sst s14  }
0x31: {  	s10 =	simm.s32 $0x10;
	s13 =	sadd.s32 s0, s13;
	[smem:$0x7DD] =	sst s17  }
0x32: {  	s20 =	sor.u32 $0x6400, s4;
	s16 =	sadd.s32 s0, s16;
	[smem:$0x7E6] =	sst s13  }
0x33: {  	s23 =	sor.u32 $0x6800, s4;
	s21 =	sadd.s32 s3, s20;
	[smem:$0x7E8] =	sst s16  }
0x34: {  	s24 =	sadd.s32 s3, s23;
	s26 =	sor.u32 $0x6C00, s4;
	[smem:$0x7EB] =	sst s21  }
0x35: {  	s12 =	sor.u32 $0x7000, s4;
	s20 =	sadd.s32 s0, s20;
	[smem:$0x7ED] =	sst s24  }
0x36: {  	s31 =	sadd.s32 s3, s26;
	s13 =	sadd.s32 s3, s12;
	[smem:$0x7F6] =	sst s20  }
0x37: {  	s21 =	sadd.s32 s0, s23;
	s23 =	sadd.s32 s0, s12;
	s12 =	rddreg [dreg:$0x3]  }
0x38: {  	s25 =	sshrl.u32 s1, $0x1;
	s9 =	simm.s32 $0x11;
	[smem:$0x7EF] =	sst s31  }
0x39: {  	s14 =	sor.u32 $0x5C00, s4;
	s17 =	sor.u32 $0x6000, s4;
	[smem:$0x7F1] =	sst s13  }
0x3a: {  	s22 =	sadd.s32 s0, s26;
	s1 =	ssub.s32 s1, s25;
	[smem:$0x7F8] =	sst s21  }
0x3b: {  	s20 =	simm.s32 $0x5;
	s15 =	sadd.s32 s3, s14;
	[smem:$0x7F9] =	sst s22  }
0x3c: {  	s18 =	sadd.s32 s3, s17;
	s14 =	sadd.s32 s0, s14;
	[smem:$0x7FA] =	sst s23  }
0x3d: {  	s17 =	sadd.s32 s0, s17;
	s31 =	smax.u32 s1, $0x1;
	[smem:$0x7E7] =	sst s15  }
0x3e: {  	s23 =	simm.s32 $0x3;
	s1 =	simm.s32 $0x4;
	[smem:$0x7E9] =	sst s18  }
0x3f: {  	s13 =	simm.s32 $0x8;
	s15 =	sor.u32 $0x7400, s4;
	[smem:$0x7F2] =	sst s14  }
0x40: {  	s18 =	sor.u32 $0x7800, s4;
	[smem:$0x7F4] =	sst s17;
	s16 =	sadd.s32 s3, s15  }
0x41: {  	s4 =	sor.u32 $0x7C00, s4;
	s19 =	sadd.s32 s3, s18;
	[smem:$0x7F3] =	sst s16  }
0x42: {  	p1 =	sne.s32 s31, $0x1;
	s3 =	sadd.s32 s3, s4;
	[smem:$0x7F5] =	sst s19  }
.Ltmp0:
0x43: {  	s24 =	sadd.s32 s0, s15;
	[smem:$0x7F7] =	sst s3;
	(pc) =	sbr.rel @!p1 .LBB2_5-.Ltmp0, $4  }
0x44: {  	s17 =	simm.s32 $0x6;
	s26 =	sadd.s32 s0, s18;
	[smem:$0x7FB] =	sst s24  }
0x45: {  	s14 =	simm.s32 $0xD;
	s0 =	sadd.s32 s0, s4;
	[smem:$0x7FC] =	sst s26  }
0x46: {  	s15 =	simm.s32 $0x7;
	s4 =	simm.s32 $0x14;
	[smem:$0x7FD] =	sst s0  }
0x47: {  	s26 =	simm.s32 $0x2;
	s16 =	simm.s32 $0x16000;
	s0 =	sadd.s32 $0xFFFFFFFF, s31  }
0x48: {  	[tilespmem:s2], [sflag:$0x1] =	stream.linear.gather [hbm4b:s12+s2], $0x2000, $0x38;
	[tilespmem:$0x18000] =	vst v63  }
0x49: {  	s5 =	rddreg [dreg:$0x4];
	s3 =	simm.s32 $0x2000  }
0x4a: {  	[tilespmem:s3], [sflag:$0x2] =	stream.linear.gather [hbm4b:s5+s2], $0x2000, $0x38;
	[tilespmem:$0x18000] =	vst v63  }
0x4b: {  	s29 =	rddreg [dreg:$0x5];
	s19 =	simm.s32 $0x4000  }
0x4c: {  	[tilespmem:s19], [sflag:$0x3] =	stream.linear.gather [hbm4b:s29+s2], $0x2000, $0x38;
	[tilespmem:$0x18000] =	vst v63  }
0x4d: {  	s31 =	rddreg [dreg:$0x6];
	s19 =	simm.s32 $0x6000  }
0x4e: {  	[tilespmem:s19], [sflag:$0x4] =	stream.linear.gather [hbm4b:s31+s2], $0x2000, $0x38;
	[tilespmem:$0x18000] =	vst v63  }
0x4f: {  	s21 =	rddreg [dreg:$0x7];
	s19 =	simm.s32 $0x8000  }
0x50: {  	[tilespmem:s19], [sflag:$0x5] =	stream.linear.gather [hbm4b:s21+s2], $0x2000, $0x38;
	[tilespmem:$0x18000] =	vst v63  }
0x51: {  	s5 =	rddreg [dreg:$0x8];
	s29 =	simm.s32 $0x1;
	s21 =	simm.s32 $0xA000  }
0x52: {  	[tilespmem:s21], [sflag:$0x6] =	stream.linear.gather [hbm4b:s5+s2], $0x2000, $0x38;
	[tilespmem:$0x18000] =	vst v63  }
0x53: {  	_ =	swait.ge [sflag:s29], $0x2000  }
0x54: {  	s12 =	rddreg [dreg:$0x9];
	[sflag:s29] =	ssyncset.done $0x0  }
0x55: {  	s19 =	rddreg [dreg:$0xa];
	[sflag:s29] =	ssyncadd.s32 $0xFFFFE000  }
0x56: {  	[hbm4b:s12+s2] =	stream.linear.scatter [tilespmem:s2], [sflag:$0xD], $0x2000, $0x38;
	[tilespmem:$0x18000] =	vst v63  }
0x57: {  	s22 =	simm.s32 $0x2;
	s5 =	simm.s32 $0xC000;
	[smem:$0x7DA] =	sst s0  }
0x58: {  	[tilespmem:s5], [sflag:$0x7] =	stream.linear.gather [hbm4b:s19+s2], $0x2000, $0x38;
	[tilespmem:$0x18000] =	vst v63  }
0x59: {  	_ =	swait.ge [sflag:s22], $0x2000  }
0x5a: {  	[sflag:s22] =	ssyncset.done $0x0  }
0x5b: {  	s24 =	simm.s32 $0x2000;
	s19 =	rddreg [dreg:$0xb];
	[sflag:s22] =	ssyncadd.s32 $0xFFFFE000  }
0x5c: {  	[hbm4b:s19+s2] =	stream.linear.scatter [tilespmem:s24], [sflag:$0xE], $0x2000, $0x38;
	[tilespmem:$0x18000] =	vst v63  }
0x5d: {  	s26 =	simm.s32 $0x3;
	s0 =	rddreg [dreg:$0xc];
	s19 =	simm.s32 $0xE000  }
0x5e: {  	[tilespmem:s19], [sflag:$0x8] =	stream.linear.gather [hbm4b:s0+s2], $0x2000, $0x38;
	[tilespmem:$0x18000] =	vst v63  }
0x5f: {  	_ =	swait.ge [sflag:s26], $0x2000  }
0x60: {  	[sflag:s26] =	ssyncset.done $0x0  }
0x61: {  	s25 =	simm.s32 $0x4000;
	s24 =	rddreg [dreg:$0xd];
	[sflag:s26] =	ssyncadd.s32 $0xFFFFE000  }
0x62: {  	[hbm4b:s24+s2] =	stream.linear.scatter [tilespmem:s25], [sflag:$0xF], $0x2000, $0x38;
	[tilespmem:$0x18000] =	vst v63  }
0x63: {  	s23 =	simm.s32 $0x4;
	s0 =	rddreg [dreg:$0xe];
	s24 =	simm.s32 $0x10000  }
0x64: {  	[tilespmem:s24], [sflag:$0x9] =	stream.linear.gather [hbm4b:s0+s2], $0x2000, $0x38;
	[tilespmem:$0x18000] =	vst v63  }
0x65: {  	_ =	swait.ge [sflag:s23], $0x2000  }
0x66: {  	[sflag:s23] =	ssyncset.done $0x0  }
0x67: {  	s31 =	simm.s32 $0x6000;
	s25 =	rddreg [dreg:$0xf];
	[sflag:s23] =	ssyncadd.s32 $0xFFFFE000  }
0x68: {  	[hbm4b:s25+s2] =	stream.linear.scatter [tilespmem:s31], [sflag:$0x10], $0x2000, $0x38;
	[tilespmem:$0x18000] =	vst v63  }
0x69: {  	s1 =	simm.s32 $0x12000;
	s0 =	rddreg [dreg:$0x10]  }
0x6a: {  	[tilespmem:s1], [sflag:$0xA] =	stream.linear.gather [hbm4b:s0+s2], $0x2000, $0x38;
	[tilespmem:$0x18000] =	vst v63  }
0x6b: {  	_ =	swait.ge [sflag:s20], $0x2000  }
0x6c: {  	[sflag:s20] =	ssyncset.done $0x0  }
0x6d: {  	s3 =	simm.s32 $0x8000;
	s12 =	rddreg [dreg:$0x11];
	[sflag:s20] =	ssyncadd.s32 $0xFFFFE000  }
0x6e: {  	[hbm4b:s12+s2] =	stream.linear.scatter [tilespmem:s3], [sflag:$0x11], $0x2000, $0x38;
	[tilespmem:$0x18000] =	vst v63  }
0x6f: {  	s0 =	simm.s32 $0x14000;
	s25 =	rddreg [dreg:$0x12]  }
0x70: {  	[tilespmem:s0], [sflag:$0xB] =	stream.linear.gather [hbm4b:s25+s2], $0x2000, $0x38;
	[tilespmem:$0x18000] =	vst v63  }
0x71: {  	_ =	swait.ge [sflag:s17], $0x2000  }
0x72: {  	[sflag:s17] =	ssyncset.done $0x0  }
0x73: {  	s21 =	simm.s32 $0xA000;
	s31 =	rddreg [dreg:$0x13];
	[sflag:s17] =	ssyncadd.s32 $0xFFFFE000  }
0x74: {  	[hbm4b:s31+s2] =	stream.linear.scatter [tilespmem:s21], [sflag:$0x12], $0x2000, $0x38;
	[tilespmem:$0x18000] =	vst v63  }
0x75: {  	s1 =	rddreg [dreg:$0x14]  }
0x76: {  	[tilespmem:s16], [sflag:$0xC] =	stream.linear.gather [hbm4b:s1+s2], $0x2000, $0x38;
	[tilespmem:$0x18000] =	vst v63  }
0x77: {  	_ =	swait.ge [sflag:s15], $0x2000  }
0x78: {  	[sflag:s15] =	ssyncset.done $0x0  }
0x79: {  	s3 =	rddreg [dreg:$0x15];
	[sflag:s15] =	ssyncadd.s32 $0xFFFFE000;
	s15 =	simm.s32 $0xC000  }
0x7a: {  	[hbm4b:s3+s2] =	stream.linear.scatter [tilespmem:s15], [sflag:$0x13], $0x2000, $0x38;
	[tilespmem:$0x18000] =	vst v63  }
0x7b: {  	_ =	swait.ge [sflag:s14], $0x2000  }
0x7c: {  	[sflag:s14] =	ssyncset.done $0x0  }
0x7d: {  	s12 =	rddreg [dreg:$0x16];
	[sflag:s14] =	ssyncadd.s32 $0xFFFFE000  }
0x7e: {  	[tilespmem:s2], [sflag:$0x1] =	stream.linear.gather [hbm4b:s12+s2], $0x2000, $0x38;
	[tilespmem:$0x18000] =	vst v63  }
0x7f: {  	_ =	swait.ge [sflag:s13], $0x2000  }
0x80: {  	[sflag:s13] =	ssyncset.done $0x0  }
0x81: {  	s19 =	simm.s32 $0xE000;
	s14 =	rddreg [dreg:$0x17];
	[sflag:s13] =	ssyncadd.s32 $0xFFFFE000  }
0x82: {  	[hbm4b:s14+s2] =	stream.linear.scatter [tilespmem:s19], [sflag:$0x14], $0x2000, $0x38;
	[tilespmem:$0x18000] =	vst v63  }
0x83: {  	_ =	swait.ge [sflag:s8], $0x2000  }
0x84: {  	[sflag:s8] =	ssyncset.done $0x0  }
0x85: {  	s1 =	simm.s32 $0x2000;
	s19 =	rddreg [dreg:$0x18];
	[sflag:s8] =	ssyncadd.s32 $0xFFFFE000  }
0x86: {  	[tilespmem:s1], [sflag:$0x2] =	stream.linear.gather [hbm4b:s19+s2], $0x2000, $0x38;
	[tilespmem:$0x18000] =	vst v63  }
0x87: {  	_ =	swait.ge [sflag:s30], $0x2000  }
0x88: {  	[sflag:s30] =	ssyncset.done $0x0  }
0x89: {  	s21 =	rddreg [dreg:$0x19];
	[sflag:s30] =	ssyncadd.s32 $0xFFFFE000  }
0x8a: {  	[hbm4b:s21+s2] =	stream.linear.scatter [tilespmem:s24], [sflag:$0x15], $0x2000, $0x38;
	[tilespmem:$0x18000] =	vst v63  }
0x8b: {  	_ =	swait.ge [sflag:s11], $0x2000  }
0x8c: {  	[sflag:s11] =	ssyncset.done $0x0  }
0x8d: {  	s13 =	simm.s32 $0x4000;
	s25 =	rddreg [dreg:$0x1a];
	[sflag:s11] =	ssyncadd.s32 $0xFFFFE000  }
0x8e: {  	[tilespmem:s13], [sflag:$0x3] =	stream.linear.gather [hbm4b:s25+s2], $0x2000, $0x38;
	[tilespmem:$0x18000] =	vst v63  }
0x8f: {  	_ =	swait.ge [sflag:s28], $0x2000  }
0x90: {  	[sflag:s28] =	ssyncset.done $0x0  }
0x91: {  	s11 =	simm.s32 $0x12000;
	s31 =	rddreg [dreg:$0x1b];
	[sflag:s28] =	ssyncadd.s32 $0xFFFFE000  }
0x92: {  	[hbm4b:s31+s2] =	stream.linear.scatter [tilespmem:s11], [sflag:$0x16], $0x2000, $0x38;
	[tilespmem:$0x18000] =	vst v63  }
0x93: {  	_ =	swait.ge [sflag:s10], $0x2000  }
0x94: {  	s18 =	simm.s32 $0xB;
	[sflag:s10] =	ssyncset.done $0x0  }
0x95: {  	s8 =	simm.s32 $0x6000;
	s3 =	rddreg [dreg:$0x1c];
	[sflag:s10] =	ssyncadd.s32 $0xFFFFE000  }
0x96: {  	[tilespmem:s8], [sflag:$0x4] =	stream.linear.gather [hbm4b:s3+s2], $0x2000, $0x38;
	[tilespmem:$0x18000] =	vst v63  }
0x97: {  	_ =	swait.ge [sflag:s18], $0x2000  }
0x98: {  	[sflag:s18] =	ssyncset.done $0x0  }
0x99: {  	s10 =	rddreg [dreg:$0x1d];
	[sflag:s18] =	ssyncadd.s32 $0xFFFFE000  }
0x9a: {  	[hbm4b:s10+s2] =	stream.linear.scatter [tilespmem:s0], [sflag:$0x17], $0x2000, $0x38;
	[tilespmem:$0x18000] =	vst v63  }
0x9b: {  	_ =	swait.ge [sflag:s9], $0x2000  }
0x9c: {  	s21 =	simm.s32 $0xC;
	[sflag:s9] =	ssyncset.done $0x0  }
0x9d: {  	s0 =	simm.s32 $0x8000;
	s19 =	rddreg [dreg:$0x1e];
	[sflag:s9] =	ssyncadd.s32 $0xFFFFE000  }
0x9e: {  	[tilespmem:s0], [sflag:$0x5] =	stream.linear.gather [hbm4b:s19+s2], $0x2000, $0x38;
	[tilespmem:$0x18000] =	vst v63  }
0x9f: {  	_ =	swait.ge [sflag:s21], $0x2000  }
0xa0: {  	[sflag:s21] =	ssyncset.done $0x0  }
0xa1: {  	s24 =	rddreg [dreg:$0x1f];
	[sflag:s21] =	ssyncadd.s32 $0xFFFFE000  }
0xa2: {  	[hbm4b:s24+s2] =	stream.linear.scatter [tilespmem:s16], [sflag:$0x18], $0x2000, $0x38;
	[tilespmem:$0x18000] =	vst v63  }
0xa3: {  	_ =	swait.ge [sflag:s7], $0x2000  }
0xa4: {  	s25 =	sld [smem:$0x7DB]  }
0xa5: {  	[sflag:s7] =	ssyncset.done $0x0  }
0xa6: {  	s17 =	simm.s32 $0xA000;
	[sflag:s7] =	ssyncadd.s32 $0xFFFFE000  }
0xa7: {  	[tilespmem:s17], [sflag:$0x6] =	stream.linear.gather [hbm4b:s25+s2], $0x2000, $0x38;
	[tilespmem:$0x18000] =	vst v63  }
0xa8: {  	_ =	swait.ge [sflag:s29], $0x2000  }
0xa9: {  	s3 =	sld [smem:$0x7DC]  }
0xaa: {  	[sflag:s29] =	ssyncset.done $0x0  }
0xab: {  	[sflag:s29] =	ssyncadd.s32 $0xFFFFE000  }
0xac: {  	[hbm4b:s3+s2] =	stream.linear.scatter [tilespmem:s2], [sflag:$0xD], $0x2000, $0x38;
	[tilespmem:$0x18000] =	vst v63  }
0xad: {  	_ =	swait.ge [sflag:s6], $0x2000  }
0xae: {  	s7 =	sld [smem:$0x7DD]  }
0xaf: {  	[sflag:s6] =	ssyncset.done $0x0  }
0xb0: {  	[sflag:s6] =	ssyncadd.s32 $0xFFFFE000  }
0xb1: {  	[tilespmem:s15], [sflag:$0x7] =	stream.linear.gather [hbm4b:s7+s2], $0x2000, $0x38;
	[tilespmem:$0x18000] =	vst v63  }
0xb2: {  	_ =	swait.ge [sflag:s22], $0x2000  }
0xb3: {  	s9 =	sld [smem:$0x7DE]  }
0xb4: {  	[sflag:s22] =	ssyncset.done $0x0  }
0xb5: {  	[sflag:s22] =	ssyncadd.s32 $0xFFFFE000  }
0xb6: {  	[hbm4b:s9+s2] =	stream.linear.scatter [tilespmem:s1], [sflag:$0xE], $0x2000, $0x38;
	[tilespmem:$0x18000] =	vst v63  }
0xb7: {  	_ =	swait.ge [sflag:s4], $0x2000  }
0xb8: {  	s10 =	sld [smem:$0x7DF]  }
0xb9: {  	[sflag:s4] =	ssyncset.done $0x0  }
0xba: {  	s12 =	simm.s32 $0xE000;
	[sflag:s4] =	ssyncadd.s32 $0xFFFFE000  }
0xbb: {  	[tilespmem:s12], [sflag:$0x8] =	stream.linear.gather [hbm4b:s10+s2], $0x2000, $0x38;
	[tilespmem:$0x18000] =	vst v63  }
0xbc: {  	_ =	swait.ge [sflag:s26], $0x2000  }
0xbd: {  	s12 =	sld [smem:$0x7E0]  }
0xbe: {  	[sflag:s26] =	ssyncset.done $0x0  }
0xbf: {  	[sflag:s26] =	ssyncadd.s32 $0xFFFFE000  }
0xc0: {  	[hbm4b:s12+s2] =	stream.linear.scatter [tilespmem:s13], [sflag:$0xF], $0x2000, $0x38;
	[tilespmem:$0x18000] =	vst v63  }
0xc1: {  	s12 =	simm.s32 $0x15  }
0xc2: {  	_ =	swait.ge [sflag:s12], $0x2000  }
0xc3: {  	s13 =	sld [smem:$0x7E1]  }
0xc4: {  	[sflag:s12] =	ssyncset.done $0x0  }
0xc5: {  	s14 =	simm.s32 $0x10000;
	[sflag:s12] =	ssyncadd.s32 $0xFFFFE000  }
0xc6: {  	[tilespmem:s14], [sflag:$0x9] =	stream.linear.gather [hbm4b:s13+s2], $0x2000, $0x38;
	[tilespmem:$0x18000] =	vst v63  }
0xc7: {  	_ =	swait.ge [sflag:s23], $0x2000  }
0xc8: {  	s15 =	sld [smem:$0x7E2]  }
0xc9: {  	[sflag:s23] =	ssyncset.done $0x0  }
0xca: {  	s4 =	simm.s32 $0x16;
	[sflag:s23] =	ssyncadd.s32 $0xFFFFE000  }
0xcb: {  	[hbm4b:s15+s2] =	stream.linear.scatter [tilespmem:s8], [sflag:$0x10], $0x2000, $0x38;
	[tilespmem:$0x18000] =	vst v63  }
0xcc: {  	_ =	swait.ge [sflag:s4], $0x2000  }
0xcd: {  	s17 =	sld [smem:$0x7E3]  }
0xce: {  	[sflag:s4] =	ssyncset.done $0x0  }
0xcf: {  	[sflag:s4] =	ssyncadd.s32 $0xFFFFE000  }
0xd0: {  	[tilespmem:s11], [sflag:$0xA] =	stream.linear.gather [hbm4b:s17+s2], $0x2000, $0x38;
	[tilespmem:$0x18000] =	vst v63  }
0xd1: {  	_ =	swait.ge [sflag:s20], $0x2000  }
0xd2: {  	s19 =	sld [smem:$0x7E4]  }
0xd3: {  	[sflag:s20] =	ssyncset.done $0x0  }
0xd4: {  	s10 =	simm.s32 $0x17;
	[sflag:s20] =	ssyncadd.s32 $0xFFFFE000  }
0xd5: {  	[hbm4b:s19+s2] =	stream.linear.scatter [tilespmem:s0], [sflag:$0x11], $0x2000, $0x38;
	[tilespmem:$0x18000] =	vst v63  }
0xd6: {  	_ =	swait.ge [sflag:s10], $0x2000  }
0xd7: {  	s0 =	sld [smem:$0x7E5]  }
0xd8: {  	[sflag:s10] =	ssyncset.done $0x0  }
0xd9: {  	s20 =	simm.s32 $0x14000;
	s19 =	simm.s32 $0x6;
	[sflag:s10] =	ssyncadd.s32 $0xFFFFE000  }
0xda: {  	[tilespmem:s20], [sflag:$0xB] =	stream.linear.gather [hbm4b:s0+s2], $0x2000, $0x38;
	[tilespmem:$0x18000] =	vst v63  }
0xdb: {  	_ =	swait.ge [sflag:s19], $0x2000  }
0xdc: {  	s5 =	sld [smem:$0x7E6]  }
0xdd: {  	[sflag:s19] =	ssyncset.done $0x0  }
0xde: {  	s21 =	simm.s32 $0xA000;
	[sflag:s19] =	ssyncadd.s32 $0xFFFFE000  }
0xdf: {  	[hbm4b:s5+s2] =	stream.linear.scatter [tilespmem:s21], [sflag:$0x12], $0x2000, $0x38;
	[tilespmem:$0x18000] =	vst v63  }
0xe0: {  	s21 =	simm.s32 $0x18  }
0xe1: {  	_ =	swait.ge [sflag:s21], $0x2000  }
0xe2: {  	s19 =	sld [smem:$0x7E7]  }
0xe3: {  	[sflag:s21] =	ssyncset.done $0x0  }
0xe4: {  	s17 =	simm.s32 $0x7;
	[sflag:s21] =	ssyncadd.s32 $0xFFFFE000  }
0xe5: {  	[tilespmem:s16], [sflag:$0xC] =	stream.linear.gather [hbm4b:s19+s2], $0x2000, $0x38;
	[tilespmem:$0x18000] =	vst v63  }
0xe6: {  	_ =	swait.ge [sflag:s17], $0x2000  }
0xe7: {  	s19 =	sld [smem:$0x7E8]  }
0xe8: {  	[sflag:s17] =	ssyncset.done $0x0  }
0xe9: {  	s3 =	simm.s32 $0xC000;
	s15 =	simm.s32 $0xD;
	[sflag:s17] =	ssyncadd.s32 $0xFFFFE000  }
0xea: {  	[hbm4b:s19+s2] =	stream.linear.scatter [tilespmem:s3], [sflag:$0x13], $0x2000, $0x38;
	[tilespmem:$0x18000] =	vst v63  }
0xeb: {  	_ =	swait.ge [sflag:s15], $0x2000  }
0xec: {  	s19 =	sld [smem:$0x7E9]  }
0xed: {  	[sflag:s15] =	ssyncset.done $0x0  }
0xee: {  	s14 =	simm.s32 $0x8;
	[sflag:s15] =	ssyncadd.s32 $0xFFFFE000  }
0xef: {  	[tilespmem:s2], [sflag:$0x1] =	stream.linear.gather [hbm4b:s19+s2], $0x2000, $0x38;
	[tilespmem:$0x18000] =	vst v63  }
0xf0: {  	_ =	swait.ge [sflag:s14], $0x2000  }
0xf1: {  	s3 =	sld [smem:$0x7EA]  }
0xf2: {  	[sflag:s14] =	ssyncset.done $0x0  }
0xf3: {  	s9 =	simm.s32 $0xE;
	s19 =	simm.s32 $0xE000;
	[sflag:s14] =	ssyncadd.s32 $0xFFFFE000  }
0xf4: {  	[hbm4b:s3+s2] =	stream.linear.scatter [tilespmem:s19], [sflag:$0x14], $0x2000, $0x38;
	[tilespmem:$0x18000] =	vst v63  }
0xf5: {  	_ =	swait.ge [sflag:s9], $0x2000  }
0xf6: {  	s3 =	sld [smem:$0x7EB]  }
0xf7: {  	[sflag:s9] =	ssyncset.done $0x0  }
0xf8: {  	s25 =	simm.s32 $0x2000;
	[sflag:s9] =	ssyncadd.s32 $0xFFFFE000  }
0xf9: {  	[tilespmem:s25], [sflag:$0x2] =	stream.linear.gather [hbm4b:s3+s2], $0x2000, $0x38;
	[tilespmem:$0x18000] =	vst v63  }
0xfa: {  	_ =	swait.ge [sflag:s30], $0x2000  }
0xfb: {  	s25 =	sld [smem:$0x7EC]  }
0xfc: {  	[sflag:s30] =	ssyncset.done $0x0  }
0xfd: {  	s24 =	simm.s32 $0x10000;
	s13 =	simm.s32 $0xF;
	[sflag:s30] =	ssyncadd.s32 $0xFFFFE000  }
0xfe: {  	[hbm4b:s25+s2] =	stream.linear.scatter [tilespmem:s24], [sflag:$0x15], $0x2000, $0x38;
	[tilespmem:$0x18000] =	vst v63  }
0xff: {  	_ =	swait.ge [sflag:s13], $0x2000  }
0x100: {  	s25 =	sld [smem:$0x7ED]  }
0x101: {  	[sflag:s13] =	ssyncset.done $0x0  }
0x102: {  	s30 =	simm.s32 $0x4000;
	[sflag:s13] =	ssyncadd.s32 $0xFFFFE000  }
0x103: {  	[tilespmem:s30], [sflag:$0x3] =	stream.linear.gather [hbm4b:s25+s2], $0x2000, $0x38;
	[tilespmem:$0x18000] =	vst v63  }
0x104: {  	_ =	swait.ge [sflag:s28], $0x2000  }
0x105: {  	s25 =	sld [smem:$0x7EE]  }
0x106: {  	[sflag:s28] =	ssyncset.done $0x0  }
0x107: {  	s1 =	simm.s32 $0x12000;
	s11 =	simm.s32 $0x10;
	[sflag:s28] =	ssyncadd.s32 $0xFFFFE000  }
0x108: {  	[hbm4b:s25+s2] =	stream.linear.scatter [tilespmem:s1], [sflag:$0x16], $0x2000, $0x38;
	[tilespmem:$0x18000] =	vst v63  }
0x109: {  	_ =	swait.ge [sflag:s11], $0x2000  }
0x10a: {  	s30 =	sld [smem:$0x7EF]  }
0x10b: {  	[sflag:s11] =	ssyncset.done $0x0  }
0x10c: {  	s1 =	simm.s32 $0x6000;
	[sflag:s11] =	ssyncadd.s32 $0xFFFFE000  }
0x10d: {  	[tilespmem:s1], [sflag:$0x4] =	stream.linear.gather [hbm4b:s30+s2], $0x2000, $0x38;
	[tilespmem:$0x18000] =	vst v63  }
0x10e: {  	_ =	swait.ge [sflag:s18], $0x2000  }
0x10f: {  	s25 =	sld [smem:$0x7F0]  }
0x110: {  	[sflag:s18] =	ssyncset.done $0x0  }
0x111: {  	s0 =	simm.s32 $0x14000;
	s9 =	simm.s32 $0x11;
	[sflag:s18] =	ssyncadd.s32 $0xFFFFE000  }
0x112: {  	[hbm4b:s25+s2] =	stream.linear.scatter [tilespmem:s0], [sflag:$0x17], $0x2000, $0x38;
	[tilespmem:$0x18000] =	vst v63  }
0x113: {  	_ =	swait.ge [sflag:s9], $0x2000  }
0x114: {  	s28 =	sld [smem:$0x7F1]  }
0x115: {  	[sflag:s9] =	ssyncset.done $0x0  }
0x116: {  	s31 =	simm.s32 $0xC;
	s0 =	simm.s32 $0x8000;
	[sflag:s9] =	ssyncadd.s32 $0xFFFFE000  }
0x117: {  	[tilespmem:s0], [sflag:$0x5] =	stream.linear.gather [hbm4b:s28+s2], $0x2000, $0x38;
	[tilespmem:$0x18000] =	vst v63  }
0x118: {  	_ =	swait.ge [sflag:s31], $0x2000  }
0x119: {  	s30 =	sld [smem:$0x7F2]  }
0x11a: {  	[sflag:s31] =	ssyncset.done $0x0  }
0x11b: {  	s8 =	simm.s32 $0x12;
	[sflag:s31] =	ssyncadd.s32 $0xFFFFE000  }
0x11c: {  	[hbm4b:s30+s2] =	stream.linear.scatter [tilespmem:s16], [sflag:$0x18], $0x2000, $0x38;
	[tilespmem:$0x18000] =	vst v63  }
0x11d: {  	_ =	swait.ge [sflag:s8], $0x2000  }
0x11e: {  	s16 =	sld [smem:$0x7F3]  }
0x11f: {  	[sflag:s8] =	ssyncset.done $0x0  }
0x120: {  	s18 =	simm.s32 $0xA000;
	[sflag:s8] =	ssyncadd.s32 $0xFFFFE000  }
0x121: {  	[tilespmem:s18], [sflag:$0x6] =	stream.linear.gather [hbm4b:s16+s2], $0x2000, $0x38;
	[tilespmem:$0x18000] =	vst v63  }
0x122: {  	_ =	swait.ge [sflag:s29], $0x2000  }
0x123: {  	s28 =	sld [smem:$0x7F4]  }
0x124: {  	[sflag:s29] =	ssyncset.done $0x0  }
0x125: {  	s7 =	simm.s32 $0x13;
	[sflag:s29] =	ssyncadd.s32 $0xFFFFE000  }
0x126: {  	[hbm4b:s28+s2] =	stream.linear.scatter [tilespmem:s2], [sflag:$0xD], $0x2000, $0x38;
	[tilespmem:$0x18000] =	vst v63  }
0x127: {  	_ =	swait.ge [sflag:s7], $0x2000  }
0x128: {  	s29 =	sld [smem:$0x7F5]  }
0x129: {  	[sflag:s7] =	ssyncset.done $0x0  }
0x12a: {  	s30 =	simm.s32 $0xC000;
	[sflag:s7] =	ssyncadd.s32 $0xFFFFE000  }
0x12b: {  	[tilespmem:s30], [sflag:$0x7] =	stream.linear.gather [hbm4b:s29+s2], $0x2000, $0x38;
	[tilespmem:$0x18000] =	vst v63  }
0x12c: {  	_ =	swait.ge [sflag:s22], $0x2000  }
0x12d: {  	s31 =	sld [smem:$0x7F6]  }
0x12e: {  	[sflag:s22] =	ssyncset.done $0x0  }
0x12f: {  	s6 =	simm.s32 $0x14;
	s3 =	simm.s32 $0x2000;
	[sflag:s22] =	ssyncadd.s32 $0xFFFFE000  }
0x130: {  	[hbm4b:s31+s2] =	stream.linear.scatter [tilespmem:s3], [sflag:$0xE], $0x2000, $0x38;
	[tilespmem:$0x18000] =	vst v63  }
0x131: {  	_ =	swait.ge [sflag:s6], $0x2000  }
0x132: {  	s3 =	sld [smem:$0x7F7]  }
0x133: {  	[sflag:s6] =	ssyncset.done $0x0  }
0x134: {  	[sflag:s6] =	ssyncadd.s32 $0xFFFFE000  }
0x135: {  	[tilespmem:s19], [sflag:$0x8] =	stream.linear.gather [hbm4b:s3+s2], $0x2000, $0x38;
	[tilespmem:$0x18000] =	vst v63  }
0x136: {  	_ =	swait.ge [sflag:s26], $0x2000  }
0x137: {  	s22 =	sld [smem:$0x7F8]  }
0x138: {  	[sflag:s26] =	ssyncset.done $0x0  }
0x139: {  	s24 =	simm.s32 $0x4000;
	[sflag:s26] =	ssyncadd.s32 $0xFFFFE000  }
0x13a: {  	[hbm4b:s22+s2] =	stream.linear.scatter [tilespmem:s24], [sflag:$0xF], $0x2000, $0x38;
	[tilespmem:$0x18000] =	vst v63  }
0x13b: {  	_ =	swait.ge [sflag:s12], $0x2000  }
0x13c: {  	[sflag:s12] =	ssyncset.done $0x0  }
0x13d: {  	[sflag:s12] =	ssyncadd.s32 $0xFFFFE000  }
0x13e: {  	_ =	swait.ge [sflag:s23], $0x2000  }
0x13f: {  	s25 =	sld [smem:$0x7F9]  }
0x140: {  	[sflag:s23] =	ssyncset.done $0x0  }
0x141: {  	[sflag:s23] =	ssyncadd.s32 $0xFFFFE000  }
0x142: {  	[hbm4b:s25+s2] =	stream.linear.scatter [tilespmem:s1], [sflag:$0x10], $0x2000, $0x38;
	[tilespmem:$0x18000] =	vst v63  }
0x143: {  	_ =	swait.ge [sflag:s4], $0x2000  }
0x144: {  	[sflag:s4] =	ssyncset.done $0x0  }
0x145: {  	s20 =	simm.s32 $0x5;
	[sflag:s4] =	ssyncadd.s32 $0xFFFFE000  }
0x146: {  	_ =	swait.ge [sflag:s20], $0x2000  }
0x147: {  	s26 =	sld [smem:$0x7FA]  }
0x148: {  	[sflag:s20] =	ssyncset.done $0x0  }
0x149: {  	[sflag:s20] =	ssyncadd.s32 $0xFFFFE000  }
0x14a: {  	[hbm4b:s26+s2] =	stream.linear.scatter [tilespmem:s0], [sflag:$0x11], $0x2000, $0x38;
	[tilespmem:$0x18000] =	vst v63  }
0x14b: {  	_ =	swait.ge [sflag:s10], $0x2000  }
0x14c: {  	[sflag:s10] =	ssyncset.done $0x0  }
0x14d: {  	s17 =	simm.s32 $0x6;
	[sflag:s10] =	ssyncadd.s32 $0xFFFFE000  }
0x14e: {  	_ =	swait.ge [sflag:s17], $0x2000  }
0x14f: {  	s28 =	sld [smem:$0x7FB]  }
0x150: {  	[sflag:s17] =	ssyncset.done $0x0  }
0x151: {  	[sflag:s17] =	ssyncadd.s32 $0xFFFFE000  }
0x152: {  	[hbm4b:s28+s2] =	stream.linear.scatter [tilespmem:s18], [sflag:$0x12], $0x2000, $0x38;
	[tilespmem:$0x18000] =	vst v63  }
0x153: {  	_ =	swait.ge [sflag:s21], $0x2000  }
0x154: {  	[sflag:s21] =	ssyncset.done $0x0  }
0x155: {  	s15 =	simm.s32 $0x7;
	[sflag:s21] =	ssyncadd.s32 $0xFFFFE000  }
0x156: {  	_ =	swait.ge [sflag:s15], $0x2000  }
0x157: {  	s29 =	sld [smem:$0x7FC]  }
0x158: {  	[sflag:s15] =	ssyncset.done $0x0  }
0x159: {  	s14 =	simm.s32 $0xD;
	[sflag:s15] =	ssyncadd.s32 $0xFFFFE000  }
0x15a: {  	[hbm4b:s29+s2] =	stream.linear.scatter [tilespmem:s30], [sflag:$0x13], $0x2000, $0x38;
	[tilespmem:$0x18000] =	vst v63  }
0x15b: {  	_ =	swait.ge [sflag:s14], $0x2000  }
0x15c: {  	[sflag:s14] =	ssyncset.done $0x0  }
0x15d: {  	s13 =	simm.s32 $0x8;
	[sflag:s14] =	ssyncadd.s32 $0xFFFFE000  }
0x15e: {  	_ =	swait.ge [sflag:s13], $0x2000  }
0x15f: {  	s30 =	sld [smem:$0x7FD]  }
0x160: {  	[sflag:s13] =	ssyncset.done $0x0  }
0x161: {  	s8 =	simm.s32 $0xE;
	s19 =	simm.s32 $0xE000;
	[sflag:s13] =	ssyncadd.s32 $0xFFFFE000  }
0x162: {  	[hbm4b:s30+s2] =	stream.linear.scatter [tilespmem:s19], [sflag:$0x14], $0x2000, $0x38;
	[tilespmem:$0x18000] =	vst v63  }
0x163: {  	_ =	swait.ge [sflag:s8], $0x2000  }
0x164: {  	[sflag:s8] =	ssyncset.done $0x0  }
0x165: {  	s11 =	simm.s32 $0xF;
	[sflag:s8] =	ssyncadd.s32 $0xFFFFE000  }
0x166: {  	_ =	swait.ge [sflag:s11], $0x2000  }
0x167: {  	[sflag:s11] =	ssyncset.done $0x0  }
0x168: {  	s10 =	simm.s32 $0x10;
	[sflag:s11] =	ssyncadd.s32 $0xFFFFE000  }
0x169: {  	_ =	swait.ge [sflag:s10], $0x2000  }
0x16a: {  	[sflag:s10] =	ssyncset.done $0x0  }
0x16b: {  	[sflag:s10] =	ssyncadd.s32 $0xFFFFE000  }
0x16c: {  	_ =	swait.ge [sflag:s9], $0x2000  }
0x16d: {  	[sflag:s9] =	ssyncset.done $0x0  }
0x16e: {  	s7 =	simm.s32 $0x12;
	[sflag:s9] =	ssyncadd.s32 $0xFFFFE000  }
0x16f: {  	_ =	swait.ge [sflag:s7], $0x2000  }
0x170: {  	[sflag:s7] =	ssyncset.done $0x0  }
0x171: {  	s6 =	simm.s32 $0x13;
	[sflag:s7] =	ssyncadd.s32 $0xFFFFE000  }
0x172: {  	_ =	swait.ge [sflag:s6], $0x2000  }
0x173: {  	s31 =	sld [smem:$0x7DA];
	_ =	sdelay $0x2  }
0x174: {  	p1 =	sne.s32 s31, $0x1  }
.Ltmp1:
0x175: {  	_ = 	snop;
	(pc) =	sbr.rel @!p1 .LBB2_6-.Ltmp1, $4  }
0x176: {  	[sflag:s6] =	ssyncset.done $0x0  }
0x177: {  	s4 =	simm.s32 $0x14;
	[sflag:s6] =	ssyncadd.s32 $0xFFFFE000  }
0x178: {  	p0 =	por $0x1, $0x1;
	_ =	swait.ge [sflag:s4], $0x2000  }
0x179: {  	s3 =	sadd.s32 $0xFFFFFFFF, s31;
	s12 =	rddreg [dreg:$0x3];
	[sflag:s4] =	ssyncset.done $0x0  }
0x17a: {  	s22 =	simm.s32 $0x2  }
0x17b: {  	s29 =	simm.s32 $0x3;
	s26 =	simm.s32 $0x4;
	s31 =	simm.s32 $0x9  }
.LBB2_3:
0x17c: {  	[sflag:s4] =	ssyncadd.s32 $0xFFFFE000  }
0x17d: {  	[tilespmem:s2], [sflag:$0x1] =	stream.linear.gather [hbm4b:s12+s2], $0x2000, $0x38;
	[tilespmem:$0x18000] =	vst v63  }
0x17e: {  	s16 =	rddreg [dreg:$0x4];
	s0 =	simm.s32 $0x2000  }
0x17f: {  	[tilespmem:s0], [sflag:$0x2] =	stream.linear.gather [hbm4b:s16+s2], $0x2000, $0x38;
	[tilespmem:$0x18000] =	vst v63  }
0x180: {  	s21 =	rddreg [dreg:$0x5];
	s24 =	simm.s32 $0x4000  }
0x181: {  	[tilespmem:s24], [sflag:$0x3] =	stream.linear.gather [hbm4b:s21+s2], $0x2000, $0x38;
	[tilespmem:$0x18000] =	vst v63  }
0x182: {  	s23 =	rddreg [dreg:$0x6];
	s28 =	simm.s32 $0x6000  }
0x183: {  	[tilespmem:s28], [sflag:$0x4] =	stream.linear.gather [hbm4b:s23+s2], $0x2000, $0x38;
	[tilespmem:$0x18000] =	vst v63  }
0x184: {  	s25 =	rddreg [dreg:$0x7];
	s1 =	simm.s32 $0x8000  }
0x185: {  	[tilespmem:s1], [sflag:$0x5] =	stream.linear.gather [hbm4b:s25+s2], $0x2000, $0x38;
	[tilespmem:$0x18000] =	vst v63  }
0x186: {  	s30 =	rddreg [dreg:$0x8];
	s19 =	simm.s32 $0xA000;
	s0 =	simm.s32 $0x1  }
0x187: {  	[tilespmem:s19], [sflag:$0x6] =	stream.linear.gather [hbm4b:s30+s2], $0x2000, $0x38;
	[tilespmem:$0x18000] =	vst v63  }
0x188: {  	_ =	swait.ge [sflag:s0], $0x2000  }
0x189: {  	[sflag:s0] =	ssyncset.done $0x0  }
0x18a: {  	s21 =	rddreg [dreg:$0x9];
	[sflag:s0] =	ssyncadd.s32 $0xFFFFE000  }
0x18b: {  	[hbm4b:s21+s2] =	stream.linear.scatter [tilespmem:s2], [sflag:$0xD], $0x2000, $0x38;
	[tilespmem:$0x18000] =	vst v63  }
0x18c: {  	s1 =	simm.s32 $0xC000;
	s24 =	rddreg [dreg:$0xa]  }
0x18d: {  	[tilespmem:s1], [sflag:$0x7] =	stream.linear.gather [hbm4b:s24+s2], $0x2000, $0x38;
	[tilespmem:$0x18000] =	vst v63  }
0x18e: {  	_ =	swait.ge [sflag:s22], $0x2000  }
0x18f: {  	[sflag:s22] =	ssyncset.done $0x0  }
0x190: {  	s5 =	simm.s32 $0x2000;
	s30 =	rddreg [dreg:$0xb];
	[sflag:s22] =	ssyncadd.s32 $0xFFFFE000  }
0x191: {  	[hbm4b:s30+s2] =	stream.linear.scatter [tilespmem:s5], [sflag:$0xE], $0x2000, $0x38;
	[tilespmem:$0x18000] =	vst v63  }
0x192: {  	s19 =	simm.s32 $0xE000;
	s1 =	rddreg [dreg:$0xc]  }
0x193: {  	[tilespmem:s19], [sflag:$0x8] =	stream.linear.gather [hbm4b:s1+s2], $0x2000, $0x38;
	[tilespmem:$0x18000] =	vst v63  }
0x194: {  	_ =	swait.ge [sflag:s29], $0x2000  }
0x195: {  	[sflag:s29] =	ssyncset.done $0x0  }
0x196: {  	s18 =	simm.s32 $0x4000;
	s24 =	rddreg [dreg:$0xd];
	[sflag:s29] =	ssyncadd.s32 $0xFFFFE000  }
0x197: {  	[hbm4b:s24+s2] =	stream.linear.scatter [tilespmem:s18], [sflag:$0xF], $0x2000, $0x38;
	[tilespmem:$0x18000] =	vst v63  }
0x198: {  	s1 =	rddreg [dreg:$0xe];
	s18 =	simm.s32 $0x10000  }
0x199: {  	[tilespmem:s18], [sflag:$0x9] =	stream.linear.gather [hbm4b:s1+s2], $0x2000, $0x38;
	[tilespmem:$0x18000] =	vst v63  }
0x19a: {  	_ =	swait.ge [sflag:s26], $0x2000  }
0x19b: {  	[sflag:s26] =	ssyncset.done $0x0  }
0x19c: {  	s28 =	simm.s32 $0x6000;
	s16 =	rddreg [dreg:$0xf];
	[sflag:s26] =	ssyncadd.s32 $0xFFFFE000  }
0x19d: {  	[hbm4b:s16+s2] =	stream.linear.scatter [tilespmem:s28], [sflag:$0x10], $0x2000, $0x38;
	[tilespmem:$0x18000] =	vst v63  }
0x19e: {  	s24 =	simm.s32 $0x12000;
	s19 =	rddreg [dreg:$0x10]  }
0x19f: {  	[tilespmem:s24], [sflag:$0xA] =	stream.linear.gather [hbm4b:s19+s2], $0x2000, $0x38;
	[tilespmem:$0x18000] =	vst v63  }
0x1a0: {  	_ =	swait.ge [sflag:s20], $0x2000  }
0x1a1: {  	[sflag:s20] =	ssyncset.done $0x0  }
0x1a2: {  	s23 =	simm.s32 $0x8000;
	s28 =	rddreg [dreg:$0x11];
	[sflag:s20] =	ssyncadd.s32 $0xFFFFE000  }
0x1a3: {  	[hbm4b:s28+s2] =	stream.linear.scatter [tilespmem:s23], [sflag:$0x11], $0x2000, $0x38;
	[tilespmem:$0x18000] =	vst v63  }
0x1a4: {  	s1 =	rddreg [dreg:$0x12];
	s23 =	simm.s32 $0x14000  }
0x1a5: {  	[tilespmem:s23], [sflag:$0xB] =	stream.linear.gather [hbm4b:s1+s2], $0x2000, $0x38;
	[tilespmem:$0x18000] =	vst v63  }
0x1a6: {  	_ =	swait.ge [sflag:s17], $0x2000  }
0x1a7: {  	[sflag:s17] =	ssyncset.done $0x0  }
0x1a8: {  	s25 =	simm.s32 $0xA000;
	s24 =	rddreg [dreg:$0x13];
	[sflag:s17] =	ssyncadd.s32 $0xFFFFE000  }
0x1a9: {  	[hbm4b:s24+s2] =	stream.linear.scatter [tilespmem:s25], [sflag:$0x12], $0x2000, $0x38;
	[tilespmem:$0x18000] =	vst v63  }
0x1aa: {  	s12 =	simm.s32 $0x16000;
	s1 =	rddreg [dreg:$0x14]  }
0x1ab: {  	[tilespmem:s12], [sflag:$0xC] =	stream.linear.gather [hbm4b:s1+s2], $0x2000, $0x38;
	[tilespmem:$0x18000] =	vst v63  }
0x1ac: {  	_ =	swait.ge [sflag:s15], $0x2000  }
0x1ad: {  	[sflag:s15] =	ssyncset.done $0x0  }
0x1ae: {  	s21 =	simm.s32 $0xC000;
	s24 =	rddreg [dreg:$0x15];
	[sflag:s15] =	ssyncadd.s32 $0xFFFFE000  }
0x1af: {  	[hbm4b:s24+s2] =	stream.linear.scatter [tilespmem:s21], [sflag:$0x13], $0x2000, $0x38;
	[tilespmem:$0x18000] =	vst v63  }
0x1b0: {  	_ =	swait.ge [sflag:s14], $0x2000  }
0x1b1: {  	[sflag:s14] =	ssyncset.done $0x0  }
0x1b2: {  	s25 =	rddreg [dreg:$0x16];
	[sflag:s14] =	ssyncadd.s32 $0xFFFFE000  }
0x1b3: {  	[tilespmem:s2], [sflag:$0x1] =	stream.linear.gather [hbm4b:s25+s2], $0x2000, $0x38;
	[tilespmem:$0x18000] =	vst v63  }
0x1b4: {  	_ =	swait.ge [sflag:s13], $0x2000  }
0x1b5: {  	[sflag:s13] =	ssyncset.done $0x0  }
0x1b6: {  	s5 =	simm.s32 $0xE000;
	s1 =	rddreg [dreg:$0x17];
	[sflag:s13] =	ssyncadd.s32 $0xFFFFE000  }
0x1b7: {  	[hbm4b:s1+s2] =	stream.linear.scatter [tilespmem:s5], [sflag:$0x14], $0x2000, $0x38;
	[tilespmem:$0x18000] =	vst v63  }
0x1b8: {  	_ =	swait.ge [sflag:s8], $0x2000  }
0x1b9: {  	[sflag:s8] =	ssyncset.done $0x0  }
0x1ba: {  	s30 =	simm.s32 $0x2000;
	s14 =	rddreg [dreg:$0x18];
	[sflag:s8] =	ssyncadd.s32 $0xFFFFE000  }
0x1bb: {  	[tilespmem:s30], [sflag:$0x2] =	stream.linear.gather [hbm4b:s14+s2], $0x2000, $0x38;
	[tilespmem:$0x18000] =	vst v63  }
0x1bc: {  	_ =	swait.ge [sflag:s31], $0x2000  }
0x1bd: {  	[sflag:s31] =	ssyncset.done $0x0  }
0x1be: {  	s21 =	rddreg [dreg:$0x19];
	[sflag:s31] =	ssyncadd.s32 $0xFFFFE000  }
0x1bf: {  	[hbm4b:s21+s2] =	stream.linear.scatter [tilespmem:s18], [sflag:$0x15], $0x2000, $0x38;
	[tilespmem:$0x18000] =	vst v63  }
0x1c0: {  	_ =	swait.ge [sflag:s11], $0x2000  }
0x1c1: {  	s1 =	simm.s32 $0x4000;
	[sflag:s11] =	ssyncset.done $0x0  }
0x1c2: {  	s5 =	simm.s32 $0xA;
	s24 =	rddreg [dreg:$0x1a];
	[sflag:s11] =	ssyncadd.s32 $0xFFFFE000  }
0x1c3: {  	[tilespmem:s1], [sflag:$0x3] =	stream.linear.gather [hbm4b:s24+s2], $0x2000, $0x38;
	[tilespmem:$0x18000] =	vst v63  }
0x1c4: {  	_ =	swait.ge [sflag:s5], $0x2000  }
0x1c5: {  	[sflag:s5] =	ssyncset.done $0x0  }
0x1c6: {  	s19 =	simm.s32 $0x12000;
	s25 =	rddreg [dreg:$0x1b];
	[sflag:s5] =	ssyncadd.s32 $0xFFFFE000  }
0x1c7: {  	[hbm4b:s25+s2] =	stream.linear.scatter [tilespmem:s19], [sflag:$0x16], $0x2000, $0x38;
	[tilespmem:$0x18000] =	vst v63  }
0x1c8: {  	_ =	swait.ge [sflag:s10], $0x2000  }
0x1c9: {  	s8 =	simm.s32 $0x6000;
	[sflag:s10] =	ssyncset.done $0x0  }
0x1ca: {  	s25 =	simm.s32 $0xB;
	s30 =	rddreg [dreg:$0x1c];
	[sflag:s10] =	ssyncadd.s32 $0xFFFFE000  }
0x1cb: {  	[tilespmem:s8], [sflag:$0x4] =	stream.linear.gather [hbm4b:s30+s2], $0x2000, $0x38;
	[tilespmem:$0x18000] =	vst v63  }
0x1cc: {  	_ =	swait.ge [sflag:s25], $0x2000  }
0x1cd: {  	[sflag:s25] =	ssyncset.done $0x0  }
0x1ce: {  	s23 =	simm.s32 $0x14000;
	s10 =	rddreg [dreg:$0x1d];
	[sflag:s25] =	ssyncadd.s32 $0xFFFFE000  }
0x1cf: {  	[hbm4b:s10+s2] =	stream.linear.scatter [tilespmem:s23], [sflag:$0x17], $0x2000, $0x38;
	[tilespmem:$0x18000] =	vst v63  }
0x1d0: {  	_ =	swait.ge [sflag:s9], $0x2000  }
0x1d1: {  	[sflag:s9] =	ssyncset.done $0x0  }
0x1d2: {  	s28 =	simm.s32 $0x8000;
	s19 =	rddreg [dreg:$0x1e];
	[sflag:s9] =	ssyncadd.s32 $0xFFFFE000  }
0x1d3: {  	[tilespmem:s28], [sflag:$0x5] =	stream.linear.gather [hbm4b:s19+s2], $0x2000, $0x38;
	[tilespmem:$0x18000] =	vst v63  }
0x1d4: {  	s28 =	simm.s32 $0xC  }
0x1d5: {  	_ =	swait.ge [sflag:s28], $0x2000  }
0x1d6: {  	[sflag:s28] =	ssyncset.done $0x0  }
0x1d7: {  	s16 =	simm.s32 $0x16000;
	s21 =	rddreg [dreg:$0x1f];
	[sflag:s28] =	ssyncadd.s32 $0xFFFFE000  }
0x1d8: {  	[hbm4b:s21+s2] =	stream.linear.scatter [tilespmem:s16], [sflag:$0x18], $0x2000, $0x38;
	[tilespmem:$0x18000] =	vst v63  }
0x1d9: {  	_ =	swait.ge [sflag:s7], $0x2000  }
0x1da: {  	s23 =	sld [smem:$0x7DB]  }
0x1db: {  	[sflag:s7] =	ssyncset.done $0x0  }
0x1dc: {  	s17 =	simm.s32 $0xA000;
	[sflag:s7] =	ssyncadd.s32 $0xFFFFE000  }
0x1dd: {  	[tilespmem:s17], [sflag:$0x6] =	stream.linear.gather [hbm4b:s23+s2], $0x2000, $0x38;
	[tilespmem:$0x18000] =	vst v63  }
0x1de: {  	_ =	swait.ge [sflag:s0], $0x2000  }
0x1df: {  	s30 =	sld [smem:$0x7DC]  }
0x1e0: {  	[sflag:s0] =	ssyncset.done $0x0  }
0x1e1: {  	[sflag:s0] =	ssyncadd.s32 $0xFFFFE000  }
0x1e2: {  	[hbm4b:s30+s2] =	stream.linear.scatter [tilespmem:s2], [sflag:$0xD], $0x2000, $0x38;
	[tilespmem:$0x18000] =	vst v63  }
0x1e3: {  	_ =	swait.ge [sflag:s6], $0x2000  }
0x1e4: {  	s7 =	sld [smem:$0x7DD]  }
0x1e5: {  	[sflag:s6] =	ssyncset.done $0x0  }
0x1e6: {  	s15 =	simm.s32 $0xC000;
	[sflag:s6] =	ssyncadd.s32 $0xFFFFE000  }
0x1e7: {  	[tilespmem:s15], [sflag:$0x7] =	stream.linear.gather [hbm4b:s7+s2], $0x2000, $0x38;
	[tilespmem:$0x18000] =	vst v63  }
0x1e8: {  	_ =	swait.ge [sflag:s22], $0x2000  }
0x1e9: {  	s9 =	sld [smem:$0x7DE]  }
0x1ea: {  	[sflag:s22] =	ssyncset.done $0x0  }
0x1eb: {  	s14 =	simm.s32 $0x2000;
	[sflag:s22] =	ssyncadd.s32 $0xFFFFE000  }
0x1ec: {  	[hbm4b:s9+s2] =	stream.linear.scatter [tilespmem:s14], [sflag:$0xE], $0x2000, $0x38;
	[tilespmem:$0x18000] =	vst v63  }
0x1ed: {  	_ =	swait.ge [sflag:s4], $0x2000  }
0x1ee: {  	s15 =	sld [smem:$0x7DF]  }
0x1ef: {  	[sflag:s4] =	ssyncset.done $0x0  }
0x1f0: {  	s13 =	simm.s32 $0xE000;
	[sflag:s4] =	ssyncadd.s32 $0xFFFFE000  }
0x1f1: {  	[tilespmem:s13], [sflag:$0x8] =	stream.linear.gather [hbm4b:s15+s2], $0x2000, $0x38;
	[tilespmem:$0x18000] =	vst v63  }
0x1f2: {  	_ =	swait.ge [sflag:s29], $0x2000  }
0x1f3: {  	s16 =	sld [smem:$0x7E0]  }
0x1f4: {  	[sflag:s29] =	ssyncset.done $0x0  }
0x1f5: {  	[sflag:s29] =	ssyncadd.s32 $0xFFFFE000  }
0x1f6: {  	[hbm4b:s16+s2] =	stream.linear.scatter [tilespmem:s1], [sflag:$0xF], $0x2000, $0x38;
	[tilespmem:$0x18000] =	vst v63  }
0x1f7: {  	s16 =	simm.s32 $0x15  }
0x1f8: {  	_ =	swait.ge [sflag:s16], $0x2000  }
0x1f9: {  	s17 =	sld [smem:$0x7E1]  }
0x1fa: {  	[sflag:s16] =	ssyncset.done $0x0  }
0x1fb: {  	[sflag:s16] =	ssyncadd.s32 $0xFFFFE000  }
0x1fc: {  	[tilespmem:s18], [sflag:$0x9] =	stream.linear.gather [hbm4b:s17+s2], $0x2000, $0x38;
	[tilespmem:$0x18000] =	vst v63  }
0x1fd: {  	_ =	swait.ge [sflag:s26], $0x2000  }
0x1fe: {  	s19 =	sld [smem:$0x7E2]  }
0x1ff: {  	[sflag:s26] =	ssyncset.done $0x0  }
0x200: {  	s4 =	simm.s32 $0x16;
	[sflag:s26] =	ssyncadd.s32 $0xFFFFE000  }
0x201: {  	[hbm4b:s19+s2] =	stream.linear.scatter [tilespmem:s8], [sflag:$0x10], $0x2000, $0x38;
	[tilespmem:$0x18000] =	vst v63  }
0x202: {  	_ =	swait.ge [sflag:s4], $0x2000  }
0x203: {  	s23 =	sld [smem:$0x7E3]  }
0x204: {  	[sflag:s4] =	ssyncset.done $0x0  }
0x205: {  	s11 =	simm.s32 $0x12000;
	[sflag:s4] =	ssyncadd.s32 $0xFFFFE000  }
0x206: {  	[tilespmem:s11], [sflag:$0xA] =	stream.linear.gather [hbm4b:s23+s2], $0x2000, $0x38;
	[tilespmem:$0x18000] =	vst v63  }
0x207: {  	_ =	swait.ge [sflag:s20], $0x2000  }
0x208: {  	s30 =	sld [smem:$0x7E4]  }
0x209: {  	[sflag:s20] =	ssyncset.done $0x0  }
0x20a: {  	s10 =	simm.s32 $0x8000;
	[sflag:s20] =	ssyncadd.s32 $0xFFFFE000  }
0x20b: {  	[hbm4b:s30+s2] =	stream.linear.scatter [tilespmem:s10], [sflag:$0x11], $0x2000, $0x38;
	[tilespmem:$0x18000] =	vst v63  }
0x20c: {  	s10 =	simm.s32 $0x17  }
0x20d: {  	_ =	swait.ge [sflag:s10], $0x2000  }
0x20e: {  	s20 =	sld [smem:$0x7E5]  }
0x20f: {  	[sflag:s10] =	ssyncset.done $0x0  }
0x210: {  	s24 =	simm.s32 $0x14000;
	s1 =	simm.s32 $0x6;
	[sflag:s10] =	ssyncadd.s32 $0xFFFFE000  }
0x211: {  	[tilespmem:s24], [sflag:$0xB] =	stream.linear.gather [hbm4b:s20+s2], $0x2000, $0x38;
	[tilespmem:$0x18000] =	vst v63  }
0x212: {  	_ =	swait.ge [sflag:s1], $0x2000  }
0x213: {  	s24 =	sld [smem:$0x7E6]  }
0x214: {  	[sflag:s1] =	ssyncset.done $0x0  }
0x215: {  	s21 =	simm.s32 $0xA000;
	[sflag:s1] =	ssyncadd.s32 $0xFFFFE000  }
0x216: {  	[hbm4b:s24+s2] =	stream.linear.scatter [tilespmem:s21], [sflag:$0x12], $0x2000, $0x38;
	[tilespmem:$0x18000] =	vst v63  }
0x217: {  	s21 =	simm.s32 $0x18  }
0x218: {  	_ =	swait.ge [sflag:s21], $0x2000  }
0x219: {  	s1 =	sld [smem:$0x7E7]  }
0x21a: {  	[sflag:s21] =	ssyncset.done $0x0  }
0x21b: {  	s17 =	simm.s32 $0x7;
	s19 =	simm.s32 $0x16000;
	[sflag:s21] =	ssyncadd.s32 $0xFFFFE000  }
0x21c: {  	[tilespmem:s19], [sflag:$0xC] =	stream.linear.gather [hbm4b:s1+s2], $0x2000, $0x38;
	[tilespmem:$0x18000] =	vst v63  }
0x21d: {  	_ =	swait.ge [sflag:s17], $0x2000  }
0x21e: {  	s24 =	sld [smem:$0x7E8]  }
0x21f: {  	[sflag:s17] =	ssyncset.done $0x0  }
0x220: {  	s15 =	simm.s32 $0xD;
	s1 =	simm.s32 $0xC000;
	[sflag:s17] =	ssyncadd.s32 $0xFFFFE000  }
0x221: {  	[hbm4b:s24+s2] =	stream.linear.scatter [tilespmem:s1], [sflag:$0x13], $0x2000, $0x38;
	[tilespmem:$0x18000] =	vst v63  }
0x222: {  	_ =	swait.ge [sflag:s15], $0x2000  }
0x223: {  	s19 =	sld [smem:$0x7E9]  }
0x224: {  	[sflag:s15] =	ssyncset.done $0x0  }
0x225: {  	s14 =	simm.s32 $0x8;
	[sflag:s15] =	ssyncadd.s32 $0xFFFFE000  }
0x226: {  	[tilespmem:s2], [sflag:$0x1] =	stream.linear.gather [hbm4b:s19+s2], $0x2000, $0x38;
	[tilespmem:$0x18000] =	vst v63  }
0x227: {  	_ =	swait.ge [sflag:s14], $0x2000  }
0x228: {  	s24 =	sld [smem:$0x7EA]  }
0x229: {  	[sflag:s14] =	ssyncset.done $0x0  }
0x22a: {  	s9 =	simm.s32 $0xE;
	s19 =	simm.s32 $0xE000;
	[sflag:s14] =	ssyncadd.s32 $0xFFFFE000  }
0x22b: {  	[hbm4b:s24+s2] =	stream.linear.scatter [tilespmem:s19], [sflag:$0x14], $0x2000, $0x38;
	[tilespmem:$0x18000] =	vst v63  }
0x22c: {  	_ =	swait.ge [sflag:s9], $0x2000  }
0x22d: {  	s12 =	sld [smem:$0x7EB]  }
0x22e: {  	[sflag:s9] =	ssyncset.done $0x0  }
0x22f: {  	s24 =	simm.s32 $0x2000;
	[sflag:s9] =	ssyncadd.s32 $0xFFFFE000  }
0x230: {  	[tilespmem:s24], [sflag:$0x2] =	stream.linear.gather [hbm4b:s12+s2], $0x2000, $0x38;
	[tilespmem:$0x18000] =	vst v63  }
0x231: {  	_ =	swait.ge [sflag:s31], $0x2000  }
0x232: {  	s12 =	sld [smem:$0x7EC]  }
0x233: {  	[sflag:s31] =	ssyncset.done $0x0  }
0x234: {  	s13 =	simm.s32 $0xF;
	[sflag:s31] =	ssyncadd.s32 $0xFFFFE000  }
0x235: {  	[hbm4b:s12+s2] =	stream.linear.scatter [tilespmem:s18], [sflag:$0x15], $0x2000, $0x38;
	[tilespmem:$0x18000] =	vst v63  }
0x236: {  	_ =	swait.ge [sflag:s13], $0x2000  }
0x237: {  	s12 =	sld [smem:$0x7ED]  }
0x238: {  	[sflag:s13] =	ssyncset.done $0x0  }
0x239: {  	s18 =	simm.s32 $0x4000;
	[sflag:s13] =	ssyncadd.s32 $0xFFFFE000  }
0x23a: {  	[tilespmem:s18], [sflag:$0x3] =	stream.linear.gather [hbm4b:s12+s2], $0x2000, $0x38;
	[tilespmem:$0x18000] =	vst v63  }
0x23b: {  	_ =	swait.ge [sflag:s5], $0x2000  }
0x23c: {  	s12 =	sld [smem:$0x7EE]  }
0x23d: {  	[sflag:s5] =	ssyncset.done $0x0  }
0x23e: {  	s23 =	simm.s32 $0x12000;
	s11 =	simm.s32 $0x10;
	[sflag:s5] =	ssyncadd.s32 $0xFFFFE000  }
0x23f: {  	[hbm4b:s12+s2] =	stream.linear.scatter [tilespmem:s23], [sflag:$0x16], $0x2000, $0x38;
	[tilespmem:$0x18000] =	vst v63  }
0x240: {  	_ =	swait.ge [sflag:s11], $0x2000  }
0x241: {  	s23 =	sld [smem:$0x7EF]  }
0x242: {  	[sflag:s11] =	ssyncset.done $0x0  }
0x243: {  	s5 =	simm.s32 $0x6000;
	[sflag:s11] =	ssyncadd.s32 $0xFFFFE000  }
0x244: {  	[tilespmem:s5], [sflag:$0x4] =	stream.linear.gather [hbm4b:s23+s2], $0x2000, $0x38;
	[tilespmem:$0x18000] =	vst v63  }
0x245: {  	_ =	swait.ge [sflag:s25], $0x2000  }
0x246: {  	s23 =	sld [smem:$0x7F0]  }
0x247: {  	[sflag:s25] =	ssyncset.done $0x0  }
0x248: {  	s30 =	simm.s32 $0x14000;
	s9 =	simm.s32 $0x11;
	[sflag:s25] =	ssyncadd.s32 $0xFFFFE000  }
0x249: {  	[hbm4b:s23+s2] =	stream.linear.scatter [tilespmem:s30], [sflag:$0x17], $0x2000, $0x38;
	[tilespmem:$0x18000] =	vst v63  }
0x24a: {  	_ =	swait.ge [sflag:s9], $0x2000  }
0x24b: {  	s30 =	sld [smem:$0x7F1]  }
0x24c: {  	[sflag:s9] =	ssyncset.done $0x0  }
0x24d: {  	s23 =	simm.s32 $0x8000;
	[sflag:s9] =	ssyncadd.s32 $0xFFFFE000  }
0x24e: {  	[tilespmem:s23], [sflag:$0x5] =	stream.linear.gather [hbm4b:s30+s2], $0x2000, $0x38;
	[tilespmem:$0x18000] =	vst v63  }
0x24f: {  	_ =	swait.ge [sflag:s28], $0x2000  }
0x250: {  	s25 =	sld [smem:$0x7F2]  }
0x251: {  	[sflag:s28] =	ssyncset.done $0x0  }
0x252: {  	s8 =	simm.s32 $0x12;
	s30 =	simm.s32 $0x16000;
	[sflag:s28] =	ssyncadd.s32 $0xFFFFE000  }
0x253: {  	[hbm4b:s25+s2] =	stream.linear.scatter [tilespmem:s30], [sflag:$0x18], $0x2000, $0x38;
	[tilespmem:$0x18000] =	vst v63  }
0x254: {  	_ =	swait.ge [sflag:s8], $0x2000  }
0x255: {  	s28 =	sld [smem:$0x7F3]  }
0x256: {  	[sflag:s8] =	ssyncset.done $0x0  }
0x257: {  	s25 =	simm.s32 $0xA000;
	[sflag:s8] =	ssyncadd.s32 $0xFFFFE000  }
0x258: {  	[tilespmem:s25], [sflag:$0x6] =	stream.linear.gather [hbm4b:s28+s2], $0x2000, $0x38;
	[tilespmem:$0x18000] =	vst v63  }
0x259: {  	_ =	swait.ge [sflag:s0], $0x2000  }
0x25a: {  	s30 =	sld [smem:$0x7F4]  }
0x25b: {  	[sflag:s0] =	ssyncset.done $0x0  }
0x25c: {  	s7 =	simm.s32 $0x13;
	[sflag:s0] =	ssyncadd.s32 $0xFFFFE000  }
0x25d: {  	[hbm4b:s30+s2] =	stream.linear.scatter [tilespmem:s2], [sflag:$0xD], $0x2000, $0x38;
	[tilespmem:$0x18000] =	vst v63  }
0x25e: {  	_ =	swait.ge [sflag:s7], $0x2000  }
0x25f: {  	s0 =	sld [smem:$0x7F5]  }
0x260: {  	[sflag:s7] =	ssyncset.done $0x0  }
0x261: {  	[sflag:s7] =	ssyncadd.s32 $0xFFFFE000  }
0x262: {  	[tilespmem:s1], [sflag:$0x7] =	stream.linear.gather [hbm4b:s0+s2], $0x2000, $0x38;
	[tilespmem:$0x18000] =	vst v63  }
0x263: {  	_ =	swait.ge [sflag:s22], $0x2000  }
0x264: {  	s1 =	sld [smem:$0x7F6]  }
0x265: {  	[sflag:s22] =	ssyncset.done $0x0  }
0x266: {  	s6 =	simm.s32 $0x14;
	[sflag:s22] =	ssyncadd.s32 $0xFFFFE000  }
0x267: {  	[hbm4b:s1+s2] =	stream.linear.scatter [tilespmem:s24], [sflag:$0xE], $0x2000, $0x38;
	[tilespmem:$0x18000] =	vst v63  }
0x268: {  	_ =	swait.ge [sflag:s6], $0x2000  }
0x269: {  	s28 =	sld [smem:$0x7F7]  }
0x26a: {  	[sflag:s6] =	ssyncset.done $0x0  }
0x26b: {  	[sflag:s6] =	ssyncadd.s32 $0xFFFFE000  }
0x26c: {  	[tilespmem:s19], [sflag:$0x8] =	stream.linear.gather [hbm4b:s28+s2], $0x2000, $0x38;
	[tilespmem:$0x18000] =	vst v63  }
0x26d: {  	_ =	swait.ge [sflag:s29], $0x2000  }
0x26e: {  	s30 =	sld [smem:$0x7F8]  }
0x26f: {  	[sflag:s29] =	ssyncset.done $0x0  }
0x270: {  	s18 =	simm.s32 $0x4000;
	[sflag:s29] =	ssyncadd.s32 $0xFFFFE000  }
0x271: {  	[hbm4b:s30+s2] =	stream.linear.scatter [tilespmem:s18], [sflag:$0xF], $0x2000, $0x38;
	[tilespmem:$0x18000] =	vst v63  }
0x272: {  	_ =	swait.ge [sflag:s16], $0x2000  }
0x273: {  	[sflag:s16] =	ssyncset.done $0x0  }
0x274: {  	[sflag:s16] =	ssyncadd.s32 $0xFFFFE000  }
0x275: {  	_ =	swait.ge [sflag:s26], $0x2000  }
0x276: {  	s18 =	sld [smem:$0x7F9]  }
0x277: {  	[sflag:s26] =	ssyncset.done $0x0  }
0x278: {  	[sflag:s26] =	ssyncadd.s32 $0xFFFFE000  }
0x279: {  	[hbm4b:s18+s2] =	stream.linear.scatter [tilespmem:s5], [sflag:$0x10], $0x2000, $0x38;
	[tilespmem:$0x18000] =	vst v63  }
0x27a: {  	_ =	swait.ge [sflag:s4], $0x2000  }
0x27b: {  	[sflag:s4] =	ssyncset.done $0x0  }
0x27c: {  	s20 =	simm.s32 $0x5;
	[sflag:s4] =	ssyncadd.s32 $0xFFFFE000  }
0x27d: {  	_ =	swait.ge [sflag:s20], $0x2000  }
0x27e: {  	s19 =	sld [smem:$0x7FA]  }
0x27f: {  	[sflag:s20] =	ssyncset.done $0x0  }
0x280: {  	[sflag:s20] =	ssyncadd.s32 $0xFFFFE000  }
0x281: {  	[hbm4b:s19+s2] =	stream.linear.scatter [tilespmem:s23], [sflag:$0x11], $0x2000, $0x38;
	[tilespmem:$0x18000] =	vst v63  }
0x282: {  	_ =	swait.ge [sflag:s10], $0x2000  }
0x283: {  	[sflag:s10] =	ssyncset.done $0x0  }
0x284: {  	s17 =	simm.s32 $0x6;
	[sflag:s10] =	ssyncadd.s32 $0xFFFFE000  }
0x285: {  	_ =	swait.ge [sflag:s17], $0x2000  }
0x286: {  	s24 =	sld [smem:$0x7FB]  }
0x287: {  	[sflag:s17] =	ssyncset.done $0x0  }
0x288: {  	[sflag:s17] =	ssyncadd.s32 $0xFFFFE000  }
0x289: {  	[hbm4b:s24+s2] =	stream.linear.scatter [tilespmem:s25], [sflag:$0x12], $0x2000, $0x38;
	[tilespmem:$0x18000] =	vst v63  }
0x28a: {  	_ =	swait.ge [sflag:s21], $0x2000  }
0x28b: {  	[sflag:s21] =	ssyncset.done $0x0  }
0x28c: {  	s15 =	simm.s32 $0x7;
	[sflag:s21] =	ssyncadd.s32 $0xFFFFE000  }
0x28d: {  	_ =	swait.ge [sflag:s15], $0x2000  }
0x28e: {  	s28 =	sld [smem:$0x7FC]  }
0x28f: {  	[sflag:s15] =	ssyncset.done $0x0  }
0x290: {  	s14 =	simm.s32 $0xD;
	s0 =	simm.s32 $0xC000;
	[sflag:s15] =	ssyncadd.s32 $0xFFFFE000  }
0x291: {  	[hbm4b:s28+s2] =	stream.linear.scatter [tilespmem:s0], [sflag:$0x13], $0x2000, $0x38;
	[tilespmem:$0x18000] =	vst v63  }
0x292: {  	_ =	swait.ge [sflag:s14], $0x2000  }
0x293: {  	[sflag:s14] =	ssyncset.done $0x0  }
0x294: {  	s13 =	simm.s32 $0x8;
	[sflag:s14] =	ssyncadd.s32 $0xFFFFE000  }
0x295: {  	_ =	swait.ge [sflag:s13], $0x2000  }
0x296: {  	s30 =	sld [smem:$0x7FD]  }
0x297: {  	[sflag:s13] =	ssyncset.done $0x0  }
0x298: {  	s8 =	simm.s32 $0xE;
	s1 =	simm.s32 $0xE000;
	[sflag:s13] =	ssyncadd.s32 $0xFFFFE000  }
0x299: {  	[hbm4b:s30+s2] =	stream.linear.scatter [tilespmem:s1], [sflag:$0x14], $0x2000, $0x38;
	[tilespmem:$0x18000] =	vst v63  }
0x29a: {  	_ =	swait.ge [sflag:s8], $0x2000  }
0x29b: {  	[sflag:s8] =	ssyncset.done $0x0  }
0x29c: {  	s11 =	simm.s32 $0xF;
	[sflag:s8] =	ssyncadd.s32 $0xFFFFE000  }
0x29d: {  	_ =	swait.ge [sflag:s11], $0x2000  }
0x29e: {  	[sflag:s11] =	ssyncset.done $0x0  }
0x29f: {  	s10 =	simm.s32 $0x10;
	[sflag:s11] =	ssyncadd.s32 $0xFFFFE000  }
0x2a0: {  	_ =	swait.ge [sflag:s10], $0x2000  }
0x2a1: {  	[sflag:s10] =	ssyncset.done $0x0  }
0x2a2: {  	[sflag:s10] =	ssyncadd.s32 $0xFFFFE000  }
0x2a3: {  	_ =	swait.ge [sflag:s9], $0x2000  }
0x2a4: {  	[sflag:s9] =	ssyncset.done $0x0  }
0x2a5: {  	s7 =	simm.s32 $0x12;
	[sflag:s9] =	ssyncadd.s32 $0xFFFFE000  }
0x2a6: {  	_ =	swait.ge [sflag:s7], $0x2000  }
0x2a7: {  	[sflag:s7] =	ssyncset.done $0x0  }
0x2a8: {  	p1 =	sne.s32 s3, $0x1;
	s6 =	simm.s32 $0x13;
	[sflag:s7] =	ssyncadd.s32 $0xFFFFE000  }
.Ltmp2:
0x2a9: {  	_ =	swait.ge [sflag:s6], $0x2000;
	(pc) =	sbr.rel @p1 .LBB2_3-.Ltmp2, $4  }
0x2aa: {  	[sflag:s6] =	ssyncset.done $0x0  }
0x2ab: {  	s4 =	simm.s32 $0x14;
	[sflag:s6] =	ssyncadd.s32 $0xFFFFE000  }
0x2ac: {  	_ =	swait.ge [sflag:s4], $0x2000  }
0x2ad: {  	s3 =	sadd.s32 $0xFFFFFFFF, s3;
	s12 =	rddreg [dreg:$0x3];
	[sflag:s4] =	ssyncset.done $0x0  }
0x2ae: {  	s16 =	simm.s32 $0x16000;
	s1 =	simm.s32 $0x4  }
0x2af: {  	s23 =	simm.s32 $0x3;
	s26 =	simm.s32 $0x2;
	s29 =	simm.s32 $0x1  }
.LBB2_5:
0x2b0: {  	[sflag:s4] =	ssyncadd.s32 @p0 $0xFFFFE000  }
0x2b1: {  	[tilespmem:s2], [sflag:$0x1] =	stream.linear.gather [hbm4b:s12+s2], $0x2000, $0x38;
	[tilespmem:$0x18000] =	vst v63  }
0x2b2: {  	s5 =	rddreg [dreg:$0x4];
	s30 =	simm.s32 $0x2000  }
0x2b3: {  	[tilespmem:s30], [sflag:$0x2] =	stream.linear.gather [hbm4b:s5+s2], $0x2000, $0x38;
	[tilespmem:$0x18000] =	vst v63  }
0x2b4: {  	s19 =	rddreg [dreg:$0x5];
	s0 =	simm.s32 $0x4000  }
0x2b5: {  	[tilespmem:s0], [sflag:$0x3] =	stream.linear.gather [hbm4b:s19+s2], $0x2000, $0x38;
	[tilespmem:$0x18000] =	vst v63  }
0x2b6: {  	s21 =	rddreg [dreg:$0x6];
	s24 =	simm.s32 $0x6000  }
0x2b7: {  	[tilespmem:s24], [sflag:$0x4] =	stream.linear.gather [hbm4b:s21+s2], $0x2000, $0x38;
	[tilespmem:$0x18000] =	vst v63  }
0x2b8: {  	s22 =	rddreg [dreg:$0x7];
	s28 =	simm.s32 $0x8000  }
0x2b9: {  	[tilespmem:s28], [sflag:$0x5] =	stream.linear.gather [hbm4b:s22+s2], $0x2000, $0x38;
	[tilespmem:$0x18000] =	vst v63  }
0x2ba: {  	s25 =	rddreg [dreg:$0x8];
	s31 =	simm.s32 $0xA000  }
0x2bb: {  	[tilespmem:s31], [sflag:$0x6] =	stream.linear.gather [hbm4b:s25+s2], $0x2000, $0x38;
	[tilespmem:$0x18000] =	vst v63  }
0x2bc: {  	_ =	swait.ge [sflag:s29], $0x2000  }
0x2bd: {  	[sflag:s29] =	ssyncset.done $0x0  }
0x2be: {  	s0 =	rddreg [dreg:$0x9];
	[sflag:s29] =	ssyncadd.s32 $0xFFFFE000  }
0x2bf: {  	[hbm4b:s0+s2] =	stream.linear.scatter [tilespmem:s2], [sflag:$0xD], $0x2000, $0x38;
	[tilespmem:$0x18000] =	vst v63  }
0x2c0: {  	s5 =	simm.s32 $0xC000;
	s3 =	rddreg [dreg:$0xa]  }
0x2c1: {  	[tilespmem:s5], [sflag:$0x7] =	stream.linear.gather [hbm4b:s3+s2], $0x2000, $0x38;
	[tilespmem:$0x18000] =	vst v63  }
0x2c2: {  	_ =	swait.ge [sflag:s26], $0x2000  }
0x2c3: {  	[sflag:s26] =	ssyncset.done $0x0  }
0x2c4: {  	s12 =	rddreg [dreg:$0xb];
	[sflag:s26] =	ssyncadd.s32 $0xFFFFE000  }
0x2c5: {  	[hbm4b:s12+s2] =	stream.linear.scatter [tilespmem:s30], [sflag:$0xE], $0x2000, $0x38;
	[tilespmem:$0x18000] =	vst v63  }
0x2c6: {  	s25 =	simm.s32 $0xE000;
	s24 =	rddreg [dreg:$0xc]  }
0x2c7: {  	[tilespmem:s25], [sflag:$0x8] =	stream.linear.gather [hbm4b:s24+s2], $0x2000, $0x38;
	[tilespmem:$0x18000] =	vst v63  }
0x2c8: {  	_ =	swait.ge [sflag:s23], $0x2000  }
0x2c9: {  	[sflag:s23] =	ssyncset.done $0x0  }
0x2ca: {  	s19 =	simm.s32 $0x4000;
	s28 =	rddreg [dreg:$0xd];
	[sflag:s23] =	ssyncadd.s32 $0xFFFFE000  }
0x2cb: {  	[hbm4b:s28+s2] =	stream.linear.scatter [tilespmem:s19], [sflag:$0xF], $0x2000, $0x38;
	[tilespmem:$0x18000] =	vst v63  }
0x2cc: {  	s31 =	rddreg [dreg:$0xe];
	s19 =	simm.s32 $0x10000  }
0x2cd: {  	[tilespmem:s19], [sflag:$0x9] =	stream.linear.gather [hbm4b:s31+s2], $0x2000, $0x38;
	[tilespmem:$0x18000] =	vst v63  }
0x2ce: {  	_ =	swait.ge [sflag:s1], $0x2000  }
0x2cf: {  	[sflag:s1] =	ssyncset.done $0x0  }
0x2d0: {  	s21 =	simm.s32 $0x6000;
	s25 =	rddreg [dreg:$0xf];
	[sflag:s1] =	ssyncadd.s32 $0xFFFFE000  }
0x2d1: {  	[hbm4b:s25+s2] =	stream.linear.scatter [tilespmem:s21], [sflag:$0x10], $0x2000, $0x38;
	[tilespmem:$0x18000] =	vst v63  }
0x2d2: {  	s28 =	rddreg [dreg:$0x10];
	s25 =	simm.s32 $0x12000  }
0x2d3: {  	[tilespmem:s25], [sflag:$0xA] =	stream.linear.gather [hbm4b:s28+s2], $0x2000, $0x38;
	[tilespmem:$0x18000] =	vst v63  }
0x2d4: {  	_ =	swait.ge [sflag:s20], $0x2000  }
0x2d5: {  	[sflag:s20] =	ssyncset.done $0x0  }
0x2d6: {  	s22 =	simm.s32 $0x8000;
	s12 =	rddreg [dreg:$0x11];
	[sflag:s20] =	ssyncadd.s32 $0xFFFFE000  }
0x2d7: {  	[hbm4b:s12+s2] =	stream.linear.scatter [tilespmem:s22], [sflag:$0x11], $0x2000, $0x38;
	[tilespmem:$0x18000] =	vst v63  }
0x2d8: {  	s28 =	simm.s32 $0x14000;
	s21 =	rddreg [dreg:$0x12]  }
0x2d9: {  	[tilespmem:s28], [sflag:$0xB] =	stream.linear.gather [hbm4b:s21+s2], $0x2000, $0x38;
	[tilespmem:$0x18000] =	vst v63  }
0x2da: {  	_ =	swait.ge [sflag:s17], $0x2000  }
0x2db: {  	[sflag:s17] =	ssyncset.done $0x0  }
0x2dc: {  	s18 =	simm.s32 $0xA000;
	s21 =	rddreg [dreg:$0x13];
	[sflag:s17] =	ssyncadd.s32 $0xFFFFE000  }
0x2dd: {  	[hbm4b:s21+s2] =	stream.linear.scatter [tilespmem:s18], [sflag:$0x12], $0x2000, $0x38;
	[tilespmem:$0x18000] =	vst v63  }
0x2de: {  	s22 =	rddreg [dreg:$0x14]  }
0x2df: {  	[tilespmem:s16], [sflag:$0xC] =	stream.linear.gather [hbm4b:s22+s2], $0x2000, $0x38;
	[tilespmem:$0x18000] =	vst v63  }
0x2e0: {  	_ =	swait.ge [sflag:s15], $0x2000  }
0x2e1: {  	[sflag:s15] =	ssyncset.done $0x0  }
0x2e2: {  	s3 =	simm.s32 $0xC000;
	s22 =	rddreg [dreg:$0x15];
	[sflag:s15] =	ssyncadd.s32 $0xFFFFE000  }
0x2e3: {  	[hbm4b:s22+s2] =	stream.linear.scatter [tilespmem:s3], [sflag:$0x13], $0x2000, $0x38;
	[tilespmem:$0x18000] =	vst v63  }
0x2e4: {  	_ =	swait.ge [sflag:s14], $0x2000  }
0x2e5: {  	[sflag:s14] =	ssyncset.done $0x0  }
0x2e6: {  	s12 =	rddreg [dreg:$0x16];
	[sflag:s14] =	ssyncadd.s32 $0xFFFFE000  }
0x2e7: {  	[tilespmem:s2], [sflag:$0x1] =	stream.linear.gather [hbm4b:s12+s2], $0x2000, $0x38;
	[tilespmem:$0x18000] =	vst v63  }
0x2e8: {  	_ =	swait.ge [sflag:s13], $0x2000  }
0x2e9: {  	[sflag:s13] =	ssyncset.done $0x0  }
0x2ea: {  	s0 =	simm.s32 $0xE000;
	s18 =	rddreg [dreg:$0x17];
	[sflag:s13] =	ssyncadd.s32 $0xFFFFE000  }
0x2eb: {  	[hbm4b:s18+s2] =	stream.linear.scatter [tilespmem:s0], [sflag:$0x14], $0x2000, $0x38;
	[tilespmem:$0x18000] =	vst v63  }
0x2ec: {  	_ =	swait.ge [sflag:s8], $0x2000  }
0x2ed: {  	[sflag:s8] =	ssyncset.done $0x0  }
0x2ee: {  	s3 =	simm.s32 $0x9;
	s22 =	rddreg [dreg:$0x18];
	[sflag:s8] =	ssyncadd.s32 $0xFFFFE000  }
0x2ef: {  	[tilespmem:s30], [sflag:$0x2] =	stream.linear.gather [hbm4b:s22+s2], $0x2000, $0x38;
	[tilespmem:$0x18000] =	vst v63  }
0x2f0: {  	_ =	swait.ge [sflag:s3], $0x2000  }
0x2f1: {  	[sflag:s3] =	ssyncset.done $0x0  }
0x2f2: {  	s0 =	rddreg [dreg:$0x19];
	[sflag:s3] =	ssyncadd.s32 $0xFFFFE000  }
0x2f3: {  	[hbm4b:s0+s2] =	stream.linear.scatter [tilespmem:s19], [sflag:$0x15], $0x2000, $0x38;
	[tilespmem:$0x18000] =	vst v63  }
0x2f4: {  	_ =	swait.ge [sflag:s11], $0x2000  }
0x2f5: {  	[sflag:s11] =	ssyncset.done $0x0  }
0x2f6: {  	s24 =	simm.s32 $0x4000;
	s12 =	rddreg [dreg:$0x1a];
	[sflag:s11] =	ssyncadd.s32 $0xFFFFE000  }
0x2f7: {  	[tilespmem:s24], [sflag:$0x3] =	stream.linear.gather [hbm4b:s12+s2], $0x2000, $0x38;
	[tilespmem:$0x18000] =	vst v63  }
0x2f8: {  	s24 =	simm.s32 $0xA  }
0x2f9: {  	_ =	swait.ge [sflag:s24], $0x2000  }
0x2fa: {  	[sflag:s24] =	ssyncset.done $0x0  }
0x2fb: {  	s18 =	rddreg [dreg:$0x1b];
	[sflag:s24] =	ssyncadd.s32 $0xFFFFE000  }
0x2fc: {  	[hbm4b:s18+s2] =	stream.linear.scatter [tilespmem:s25], [sflag:$0x16], $0x2000, $0x38;
	[tilespmem:$0x18000] =	vst v63  }
0x2fd: {  	_ =	swait.ge [sflag:s10], $0x2000  }
0x2fe: {  	[sflag:s10] =	ssyncset.done $0x0  }
0x2ff: {  	s31 =	simm.s32 $0x6000;
	s0 =	rddreg [dreg:$0x1c];
	[sflag:s10] =	ssyncadd.s32 $0xFFFFE000  }
0x300: {  	[tilespmem:s31], [sflag:$0x4] =	stream.linear.gather [hbm4b:s0+s2], $0x2000, $0x38;
	[tilespmem:$0x18000] =	vst v63  }
0x301: {  	s0 =	simm.s32 $0xB  }
0x302: {  	_ =	swait.ge [sflag:s0], $0x2000  }
0x303: {  	[sflag:s0] =	ssyncset.done $0x0  }
0x304: {  	s28 =	simm.s32 $0x14000;
	s12 =	rddreg [dreg:$0x1d];
	[sflag:s0] =	ssyncadd.s32 $0xFFFFE000  }
0x305: {  	[hbm4b:s12+s2] =	stream.linear.scatter [tilespmem:s28], [sflag:$0x17], $0x2000, $0x38;
	[tilespmem:$0x18000] =	vst v63  }
0x306: {  	_ =	swait.ge [sflag:s9], $0x2000  }
0x307: {  	[sflag:s9] =	ssyncset.done $0x0  }
0x308: {  	s12 =	simm.s32 $0x8000;
	s18 =	rddreg [dreg:$0x1e];
	[sflag:s9] =	ssyncadd.s32 $0xFFFFE000  }
0x309: {  	[tilespmem:s12], [sflag:$0x5] =	stream.linear.gather [hbm4b:s18+s2], $0x2000, $0x38;
	[tilespmem:$0x18000] =	vst v63  }
0x30a: {  	s18 =	simm.s32 $0xC  }
0x30b: {  	_ =	swait.ge [sflag:s18], $0x2000  }
0x30c: {  	[sflag:s18] =	ssyncset.done $0x0  }
0x30d: {  	s5 =	rddreg [dreg:$0x1f];
	[sflag:s18] =	ssyncadd.s32 $0xFFFFE000  }
0x30e: {  	[hbm4b:s5+s2] =	stream.linear.scatter [tilespmem:s16], [sflag:$0x18], $0x2000, $0x38;
	[tilespmem:$0x18000] =	vst v63  }
0x30f: {  	_ =	swait.ge [sflag:s7], $0x2000  }
0x310: {  	s16 =	sld [smem:$0x7DB]  }
0x311: {  	[sflag:s7] =	ssyncset.done $0x0  }
0x312: {  	s21 =	simm.s32 $0xA000;
	[sflag:s7] =	ssyncadd.s32 $0xFFFFE000  }
0x313: {  	[tilespmem:s21], [sflag:$0x6] =	stream.linear.gather [hbm4b:s16+s2], $0x2000, $0x38;
	[tilespmem:$0x18000] =	vst v63  }
0x314: {  	_ =	swait.ge [sflag:s29], $0x2000  }
0x315: {  	s16 =	sld [smem:$0x7DC]  }
0x316: {  	[sflag:s29] =	ssyncset.done $0x0  }
0x317: {  	[sflag:s29] =	ssyncadd.s32 $0xFFFFE000  }
0x318: {  	[hbm4b:s16+s2] =	stream.linear.scatter [tilespmem:s2], [sflag:$0xD], $0x2000, $0x38;
	[tilespmem:$0x18000] =	vst v63  }
0x319: {  	_ =	swait.ge [sflag:s6], $0x2000  }
0x31a: {  	s5 =	sld [smem:$0x7DD]  }
0x31b: {  	[sflag:s6] =	ssyncset.done $0x0  }
0x31c: {  	s16 =	simm.s32 $0xC000;
	[sflag:s6] =	ssyncadd.s32 $0xFFFFE000  }
0x31d: {  	[tilespmem:s16], [sflag:$0x7] =	stream.linear.gather [hbm4b:s5+s2], $0x2000, $0x38;
	[tilespmem:$0x18000] =	vst v63  }
0x31e: {  	_ =	swait.ge [sflag:s26], $0x2000  }
0x31f: {  	s16 =	sld [smem:$0x7DE]  }
0x320: {  	[sflag:s26] =	ssyncset.done $0x0  }
0x321: {  	[sflag:s26] =	ssyncadd.s32 $0xFFFFE000  }
0x322: {  	[hbm4b:s16+s2] =	stream.linear.scatter [tilespmem:s30], [sflag:$0xE], $0x2000, $0x38;
	[tilespmem:$0x18000] =	vst v63  }
0x323: {  	_ =	swait.ge [sflag:s4], $0x2000  }
0x324: {  	s5 =	sld [smem:$0x7DF]  }
0x325: {  	[sflag:s4] =	ssyncset.done $0x0  }
0x326: {  	s16 =	simm.s32 $0xE000;
	[sflag:s4] =	ssyncadd.s32 $0xFFFFE000  }
0x327: {  	[tilespmem:s16], [sflag:$0x8] =	stream.linear.gather [hbm4b:s5+s2], $0x2000, $0x38;
	[tilespmem:$0x18000] =	vst v63  }
0x328: {  	_ =	swait.ge [sflag:s23], $0x2000  }
0x329: {  	s16 =	sld [smem:$0x7E0]  }
0x32a: {  	[sflag:s23] =	ssyncset.done $0x0  }
0x32b: {  	s22 =	simm.s32 $0x4000;
	[sflag:s23] =	ssyncadd.s32 $0xFFFFE000  }
0x32c: {  	[hbm4b:s16+s2] =	stream.linear.scatter [tilespmem:s22], [sflag:$0xF], $0x2000, $0x38;
	[tilespmem:$0x18000] =	vst v63  }
0x32d: {  	s16 =	simm.s32 $0x15  }
0x32e: {  	_ =	swait.ge [sflag:s16], $0x2000  }
0x32f: {  	s5 =	sld [smem:$0x7E1]  }
0x330: {  	[sflag:s16] =	ssyncset.done $0x0  }
0x331: {  	[sflag:s16] =	ssyncadd.s32 $0xFFFFE000  }
0x332: {  	[tilespmem:s19], [sflag:$0x9] =	stream.linear.gather [hbm4b:s5+s2], $0x2000, $0x38;
	[tilespmem:$0x18000] =	vst v63  }
0x333: {  	_ =	swait.ge [sflag:s1], $0x2000  }
0x334: {  	s5 =	sld [smem:$0x7E2]  }
0x335: {  	[sflag:s1] =	ssyncset.done $0x0  }
0x336: {  	s31 =	simm.s32 $0x6000;
	[sflag:s1] =	ssyncadd.s32 $0xFFFFE000  }
0x337: {  	[hbm4b:s5+s2] =	stream.linear.scatter [tilespmem:s31], [sflag:$0x10], $0x2000, $0x38;
	[tilespmem:$0x18000] =	vst v63  }
0x338: {  	s31 =	simm.s32 $0x16  }
0x339: {  	_ =	swait.ge [sflag:s31], $0x2000  }
0x33a: {  	s1 =	sld [smem:$0x7E3]  }
0x33b: {  	[sflag:s31] =	ssyncset.done $0x0  }
0x33c: {  	[sflag:s31] =	ssyncadd.s32 $0xFFFFE000  }
0x33d: {  	[tilespmem:s25], [sflag:$0xA] =	stream.linear.gather [hbm4b:s1+s2], $0x2000, $0x38;
	[tilespmem:$0x18000] =	vst v63  }
0x33e: {  	_ =	swait.ge [sflag:s20], $0x2000  }
0x33f: {  	s1 =	sld [smem:$0x7E4]  }
0x340: {  	[sflag:s20] =	ssyncset.done $0x0  }
0x341: {  	[sflag:s20] =	ssyncadd.s32 $0xFFFFE000  }
0x342: {  	[hbm4b:s1+s2] =	stream.linear.scatter [tilespmem:s12], [sflag:$0x11], $0x2000, $0x38;
	[tilespmem:$0x18000] =	vst v63  }
0x343: {  	s12 =	simm.s32 $0x17  }
0x344: {  	_ =	swait.ge [sflag:s12], $0x2000  }
0x345: {  	s1 =	sld [smem:$0x7E5]  }
0x346: {  	[sflag:s12] =	ssyncset.done $0x0  }
0x347: {  	s28 =	simm.s32 $0x14000;
	[sflag:s12] =	ssyncadd.s32 $0xFFFFE000  }
0x348: {  	[tilespmem:s28], [sflag:$0xB] =	stream.linear.gather [hbm4b:s1+s2], $0x2000, $0x38;
	[tilespmem:$0x18000] =	vst v63  }
0x349: {  	_ =	swait.ge [sflag:s17], $0x2000  }
0x34a: {  	s1 =	sld [smem:$0x7E6]  }
0x34b: {  	[sflag:s17] =	ssyncset.done $0x0  }
0x34c: {  	s21 =	simm.s32 $0xA000;
	[sflag:s17] =	ssyncadd.s32 $0xFFFFE000  }
0x34d: {  	[hbm4b:s1+s2] =	stream.linear.scatter [tilespmem:s21], [sflag:$0x12], $0x2000, $0x38;
	[tilespmem:$0x18000] =	vst v63  }
0x34e: {  	s1 =	simm.s32 $0x18  }
0x34f: {  	_ =	swait.ge [sflag:s1], $0x2000  }
0x350: {  	s28 =	sld [smem:$0x7E7]  }
0x351: {  	[sflag:s1] =	ssyncset.done $0x0  }
0x352: {  	s22 =	simm.s32 $0x16000;
	[sflag:s1] =	ssyncadd.s32 $0xFFFFE000  }
0x353: {  	[tilespmem:s22], [sflag:$0xC] =	stream.linear.gather [hbm4b:s28+s2], $0x2000, $0x38;
	[tilespmem:$0x18000] =	vst v63  }
0x354: {  	_ =	swait.ge [sflag:s15], $0x2000  }
0x355: {  	s5 =	sld [smem:$0x7E8]  }
0x356: {  	[sflag:s15] =	ssyncset.done $0x0  }
0x357: {  	s28 =	simm.s32 $0xC000;
	[sflag:s15] =	ssyncadd.s32 $0xFFFFE000  }
0x358: {  	[hbm4b:s5+s2] =	stream.linear.scatter [tilespmem:s28], [sflag:$0x13], $0x2000, $0x38;
	[tilespmem:$0x18000] =	vst v63  }
0x359: {  	_ =	swait.ge [sflag:s14], $0x2000  }
0x35a: {  	s28 =	sld [smem:$0x7E9]  }
0x35b: {  	[sflag:s14] =	ssyncset.done $0x0  }
0x35c: {  	[sflag:s14] =	ssyncadd.s32 $0xFFFFE000  }
0x35d: {  	[tilespmem:s2], [sflag:$0x1] =	stream.linear.gather [hbm4b:s28+s2], $0x2000, $0x38;
	[tilespmem:$0x18000] =	vst v63  }
0x35e: {  	_ =	swait.ge [sflag:s13], $0x2000  }
0x35f: {  	s5 =	sld [smem:$0x7EA]  }
0x360: {  	[sflag:s13] =	ssyncset.done $0x0  }
0x361: {  	s28 =	simm.s32 $0xE000;
	[sflag:s13] =	ssyncadd.s32 $0xFFFFE000  }
0x362: {  	[hbm4b:s5+s2] =	stream.linear.scatter [tilespmem:s28], [sflag:$0x14], $0x2000, $0x38;
	[tilespmem:$0x18000] =	vst v63  }
0x363: {  	_ =	swait.ge [sflag:s8], $0x2000  }
0x364: {  	s28 =	sld [smem:$0x7EB]  }
0x365: {  	[sflag:s8] =	ssyncset.done $0x0  }
0x366: {  	[sflag:s8] =	ssyncadd.s32 $0xFFFFE000  }
0x367: {  	[tilespmem:s30], [sflag:$0x2] =	stream.linear.gather [hbm4b:s28+s2], $0x2000, $0x38;
	[tilespmem:$0x18000] =	vst v63  }
0x368: {  	_ =	swait.ge [sflag:s3], $0x2000  }
0x369: {  	s28 =	sld [smem:$0x7EC]  }
0x36a: {  	[sflag:s3] =	ssyncset.done $0x0  }
0x36b: {  	[sflag:s3] =	ssyncadd.s32 $0xFFFFE000  }
0x36c: {  	[hbm4b:s28+s2] =	stream.linear.scatter [tilespmem:s19], [sflag:$0x15], $0x2000, $0x38;
	[tilespmem:$0x18000] =	vst v63  }
0x36d: {  	_ =	swait.ge [sflag:s11], $0x2000  }
0x36e: {  	s19 =	sld [smem:$0x7ED]  }
0x36f: {  	[sflag:s11] =	ssyncset.done $0x0  }
0x370: {  	s28 =	simm.s32 $0x4000;
	[sflag:s11] =	ssyncadd.s32 $0xFFFFE000  }
0x371: {  	[tilespmem:s28], [sflag:$0x3] =	stream.linear.gather [hbm4b:s19+s2], $0x2000, $0x38;
	[tilespmem:$0x18000] =	vst v63  }
0x372: {  	_ =	swait.ge [sflag:s24], $0x2000  }
0x373: {  	s5 =	sld [smem:$0x7EE]  }
0x374: {  	[sflag:s24] =	ssyncset.done $0x0  }
0x375: {  	[sflag:s24] =	ssyncadd.s32 $0xFFFFE000  }
0x376: {  	[hbm4b:s5+s2] =	stream.linear.scatter [tilespmem:s25], [sflag:$0x16], $0x2000, $0x38;
	[tilespmem:$0x18000] =	vst v63  }
0x377: {  	_ =	swait.ge [sflag:s10], $0x2000  }
0x378: {  	s24 =	sld [smem:$0x7EF]  }
0x379: {  	[sflag:s10] =	ssyncset.done $0x0  }
0x37a: {  	s25 =	simm.s32 $0x6000;
	[sflag:s10] =	ssyncadd.s32 $0xFFFFE000  }
0x37b: {  	[tilespmem:s25], [sflag:$0x4] =	stream.linear.gather [hbm4b:s24+s2], $0x2000, $0x38;
	[tilespmem:$0x18000] =	vst v63  }
0x37c: {  	_ =	swait.ge [sflag:s0], $0x2000  }
0x37d: {  	s28 =	sld [smem:$0x7F0]  }
0x37e: {  	[sflag:s0] =	ssyncset.done $0x0  }
0x37f: {  	s5 =	simm.s32 $0x14000;
	[sflag:s0] =	ssyncadd.s32 $0xFFFFE000  }
0x380: {  	[hbm4b:s28+s2] =	stream.linear.scatter [tilespmem:s5], [sflag:$0x17], $0x2000, $0x38;
	[tilespmem:$0x18000] =	vst v63  }
0x381: {  	_ =	swait.ge [sflag:s9], $0x2000  }
0x382: {  	s25 =	sld [smem:$0x7F1]  }
0x383: {  	[sflag:s9] =	ssyncset.done $0x0  }
0x384: {  	s28 =	simm.s32 $0x8000;
	[sflag:s9] =	ssyncadd.s32 $0xFFFFE000  }
0x385: {  	[tilespmem:s28], [sflag:$0x5] =	stream.linear.gather [hbm4b:s25+s2], $0x2000, $0x38;
	[tilespmem:$0x18000] =	vst v63  }
0x386: {  	_ =	swait.ge [sflag:s18], $0x2000  }
0x387: {  	s3 =	sld [smem:$0x7F2]  }
0x388: {  	[sflag:s18] =	ssyncset.done $0x0  }
0x389: {  	[sflag:s18] =	ssyncadd.s32 $0xFFFFE000  }
0x38a: {  	[hbm4b:s3+s2] =	stream.linear.scatter [tilespmem:s22], [sflag:$0x18], $0x2000, $0x38;
	[tilespmem:$0x18000] =	vst v63  }
0x38b: {  	_ =	swait.ge [sflag:s7], $0x2000  }
0x38c: {  	s5 =	sld [smem:$0x7F3]  }
0x38d: {  	[sflag:s7] =	ssyncset.done $0x0  }
0x38e: {  	s18 =	simm.s32 $0xA000;
	[sflag:s7] =	ssyncadd.s32 $0xFFFFE000  }
0x38f: {  	[tilespmem:s18], [sflag:$0x6] =	stream.linear.gather [hbm4b:s5+s2], $0x2000, $0x38;
	[tilespmem:$0x18000] =	vst v63  }
0x390: {  	_ =	swait.ge [sflag:s29], $0x2000  }
0x391: {  	s22 =	sld [smem:$0x7F4]  }
0x392: {  	[sflag:s29] =	ssyncset.done $0x0  }
0x393: {  	[sflag:s29] =	ssyncadd.s32 $0xFFFFE000  }
0x394: {  	[hbm4b:s22+s2] =	stream.linear.scatter [tilespmem:s2], [sflag:$0xD], $0x2000, $0x38;
	[tilespmem:$0x18000] =	vst v63  }
0x395: {  	_ =	swait.ge [sflag:s6], $0x2000  }
0x396: {  	s28 =	sld [smem:$0x7F5]  }
0x397: {  	[sflag:s6] =	ssyncset.done $0x0  }
0x398: {  	s3 =	simm.s32 $0xC000;
	[sflag:s6] =	ssyncadd.s32 $0xFFFFE000  }
0x399: {  	[tilespmem:s3], [sflag:$0x7] =	stream.linear.gather [hbm4b:s28+s2], $0x2000, $0x38;
	[tilespmem:$0x18000] =	vst v63  }
0x39a: {  	_ =	swait.ge [sflag:s26], $0x2000  }
0x39b: {  	s29 =	sld [smem:$0x7F6]  }
0x39c: {  	[sflag:s26] =	ssyncset.done $0x0  }
0x39d: {  	[sflag:s26] =	ssyncadd.s32 $0xFFFFE000  }
0x39e: {  	[hbm4b:s29+s2] =	stream.linear.scatter [tilespmem:s30], [sflag:$0xE], $0x2000, $0x38;
	[tilespmem:$0x18000] =	vst v63  }
0x39f: {  	_ =	swait.ge [sflag:s4], $0x2000  }
0x3a0: {  	s30 =	sld [smem:$0x7F7]  }
0x3a1: {  	[sflag:s4] =	ssyncset.done $0x0  }
0x3a2: {  	s5 =	simm.s32 $0xE000;
	[sflag:s4] =	ssyncadd.s32 $0xFFFFE000  }
0x3a3: {  	[tilespmem:s5], [sflag:$0x8] =	stream.linear.gather [hbm4b:s30+s2], $0x2000, $0x38;
	[tilespmem:$0x18000] =	vst v63  }
0x3a4: {  	_ =	swait.ge [sflag:s23], $0x2000  }
0x3a5: {  	s22 =	sld [smem:$0x7F8]  }
0x3a6: {  	[sflag:s23] =	ssyncset.done $0x0  }
0x3a7: {  	s19 =	simm.s32 $0x4000;
	[sflag:s23] =	ssyncadd.s32 $0xFFFFE000  }
0x3a8: {  	[hbm4b:s22+s2] =	stream.linear.scatter [tilespmem:s19], [sflag:$0xF], $0x2000, $0x38;
	[tilespmem:$0x18000] =	vst v63  }
0x3a9: {  	_ =	swait.ge [sflag:s16], $0x2000  }
0x3aa: {  	[sflag:s16] =	ssyncset.done $0x0  }
0x3ab: {  	s21 =	simm.s32 $0x4;
	[sflag:s16] =	ssyncadd.s32 $0xFFFFE000  }
0x3ac: {  	_ =	swait.ge [sflag:s21], $0x2000  }
0x3ad: {  	s23 =	sld [smem:$0x7F9]  }
0x3ae: {  	[sflag:s21] =	ssyncset.done $0x0  }
0x3af: {  	s24 =	simm.s32 $0x6000;
	[sflag:s21] =	ssyncadd.s32 $0xFFFFE000  }
0x3b0: {  	[hbm4b:s23+s2] =	stream.linear.scatter [tilespmem:s24], [sflag:$0x10], $0x2000, $0x38;
	[tilespmem:$0x18000] =	vst v63  }
0x3b1: {  	_ =	swait.ge [sflag:s31], $0x2000  }
0x3b2: {  	[sflag:s31] =	ssyncset.done $0x0  }
0x3b3: {  	[sflag:s31] =	ssyncadd.s32 $0xFFFFE000  }
0x3b4: {  	_ =	swait.ge [sflag:s20], $0x2000  }
0x3b5: {  	s26 =	sld [smem:$0x7FA]  }
0x3b6: {  	[sflag:s20] =	ssyncset.done $0x0  }
0x3b7: {  	s25 =	simm.s32 $0x8000;
	[sflag:s20] =	ssyncadd.s32 $0xFFFFE000  }
0x3b8: {  	[hbm4b:s26+s2] =	stream.linear.scatter [tilespmem:s25], [sflag:$0x11], $0x2000, $0x38;
	[tilespmem:$0x18000] =	vst v63  }
0x3b9: {  	_ =	swait.ge [sflag:s12], $0x2000  }
0x3ba: {  	[sflag:s12] =	ssyncset.done $0x0  }
0x3bb: {  	[sflag:s12] =	ssyncadd.s32 $0xFFFFE000  }
0x3bc: {  	_ =	swait.ge [sflag:s17], $0x2000  }
0x3bd: {  	s28 =	sld [smem:$0x7FB]  }
0x3be: {  	[sflag:s17] =	ssyncset.done $0x0  }
0x3bf: {  	s18 =	simm.s32 $0xA000;
	[sflag:s17] =	ssyncadd.s32 $0xFFFFE000  }
0x3c0: {  	[hbm4b:s28+s2] =	stream.linear.scatter [tilespmem:s18], [sflag:$0x12], $0x2000, $0x38;
	[tilespmem:$0x18000] =	vst v63  }
0x3c1: {  	_ =	swait.ge [sflag:s1], $0x2000  }
0x3c2: {  	[sflag:s1] =	ssyncset.done $0x0  }
0x3c3: {  	[sflag:s1] =	ssyncadd.s32 $0xFFFFE000  }
0x3c4: {  	_ =	swait.ge [sflag:s15], $0x2000  }
0x3c5: {  	s29 =	sld [smem:$0x7FC]  }
0x3c6: {  	[sflag:s15] =	ssyncset.done $0x0  }
0x3c7: {  	[sflag:s15] =	ssyncadd.s32 $0xFFFFE000  }
0x3c8: {  	[hbm4b:s29+s2] =	stream.linear.scatter [tilespmem:s3], [sflag:$0x13], $0x2000, $0x38;
	[tilespmem:$0x18000] =	vst v63  }
0x3c9: {  	_ =	swait.ge [sflag:s14], $0x2000  }
0x3ca: {  	[sflag:s14] =	ssyncset.done $0x0  }
0x3cb: {  	[sflag:s14] =	ssyncadd.s32 $0xFFFFE000  }
0x3cc: {  	_ =	swait.ge [sflag:s13], $0x2000  }
0x3cd: {  	s30 =	sld [smem:$0x7FD]  }
0x3ce: {  	[sflag:s13] =	ssyncset.done $0x0  }
0x3cf: {  	[sflag:s13] =	ssyncadd.s32 $0xFFFFE000  }
0x3d0: {  	[hbm4b:s30+s2] =	stream.linear.scatter [tilespmem:s5], [sflag:$0x14], $0x2000, $0x38;
	[tilespmem:$0x18000] =	vst v63  }
0x3d1: {  	_ =	swait.ge [sflag:s8], $0x2000  }
0x3d2: {  	[sflag:s8] =	ssyncset.done $0x0  }
0x3d3: {  	[sflag:s8] =	ssyncadd.s32 $0xFFFFE000  }
0x3d4: {  	_ =	swait.ge [sflag:s11], $0x2000  }
0x3d5: {  	[sflag:s11] =	ssyncset.done $0x0  }
0x3d6: {  	[sflag:s11] =	ssyncadd.s32 $0xFFFFE000  }
0x3d7: {  	_ =	swait.ge [sflag:s10], $0x2000  }
0x3d8: {  	[sflag:s10] =	ssyncset.done $0x0  }
0x3d9: {  	[sflag:s10] =	ssyncadd.s32 $0xFFFFE000  }
0x3da: {  	_ =	swait.ge [sflag:s9], $0x2000  }
0x3db: {  	[sflag:s9] =	ssyncset.done $0x0  }
0x3dc: {  	[sflag:s9] =	ssyncadd.s32 $0xFFFFE000  }
0x3dd: {  	_ =	swait.ge [sflag:s7], $0x2000  }
0x3de: {  	[sflag:s7] =	ssyncset.done $0x0  }
0x3df: {  	[sflag:s7] =	ssyncadd.s32 $0xFFFFE000  }
0x3e0: {  	_ =	swait.ge [sflag:s6], $0x2000  }
0x3e1: {  	[sflag:s6] =	ssyncset.done $0x0  }
0x3e2: {  	[sflag:s6] =	ssyncadd.s32 $0xFFFFE000  }
0x3e3: {  	_ =	swait.ge [sflag:s4], $0x2000  }
0x3e4: {  	[sflag:s4] =	ssyncset.done $0x0  }
0x3e5: {  	[sflag:s4] =	ssyncadd.s32 $0xFFFFE000  }
0x3e6: {  	_ =	sfence.sel $0x180000  }
0x3e7: {  	[bflag:$0x0] =	sbarrier.arrive $0xFFFF  }
0x3e8: {  	_ =	strace $0x90000047  }
0x3e9: {  	s31 =	stileid.u32;
	[bflag:$0x2] =	sbarrier.arrive $0xFFFF  }
0x3ea: {  	p0 =	sne.s32 s31, $0x0;
	s0 =	rddreg [dreg:$0x2]  }
0x3eb: {  	s0 =	sadd.s32 @!p0 $0x100000, s0  }
0x3ec: {  	[sflag:s0] =	ssyncadd.tile.s32 @!p0 $0x1;
	_ =	shalt  }
.LBB2_6:
.Ltmp3:
0x3ed: {  	(pc) =	sbr.rel .LBB2_5-.Ltmp3, $3  }
0x3ee: {  	_ =	sdelay $0x1  }
0x3ef: {  	s16 =	simm.s32 $0x16000;
	s1 =	simm.s32 $0x4  }
0x3f0: {  	s23 =	simm.s32 $0x3;
	s26 =	simm.s32 $0x2;
	s29 =	simm.s32 $0x1  }
.Lfunc_end2:
_tile_overlayer_lowered:
.L_overlay_start_2:
0x3f1: {  	(tag) =	ssettag $0x2  }
0x3f2: {  	s0 =	rddreg [dreg:$0x0];
	s2 =	stileid.u32  }
0x3f3: {  	s1 =	rddreg [dreg:$0x1];
	p0 =	sne.s32 s2, $0x0  }
0x3f4: {  	s3 =	rddreg [dreg:$0x2];
	[bflag:$0x3] =	sbarrier.arrive $0xFFFF;
	s2 =	simm.s32 @!p0 $0x1C19  }
0x3f5: {  	[timem:s3], [sflag:s2] =	dma.local @!p0 [hbm:s0], s1  }
0x3f6: {  	s0 =	simm.s32 @!p0 $0x19  }
0x3f7: {  	_ =	swait.ge @!p0 [sflag:s0], s1  }
0x3f8: {  	s1 =	ssub.s32 @!p0 $0x0, s1;
	[sflag:s0] =	ssyncset.done @!p0 $0x0  }
0x3f9: {  	[sflag:s0] =	ssyncadd.s32 @!p0 s1  }
0x3fa: {  	[bflag:$0x3] =	sbarrier.arrive $0xFFFF  }
0x3fb: {  	_ =	shalt  }

</sc_bundles>
